<compile_context>
chip_gen: v7x
topology: tpu7x:2x2x1
jax: 0.10.2.dev20260603
libtpu: 0.0.44.dev20260713+nightly
codegen_flags: <defaults>
</compile_context>

<pallas_src>
import functools

import jax
import jax.numpy as jnp
from jax import lax
from jax.experimental import pallas as pl
from jax.experimental.pallas import tpu as pltpu
from jax.experimental.pallas import tpu_sc as plsc

F32 = jnp.float32
I32 = jnp.int32

N = 10000
NA = 10240
E = 320000
C = 128
NCORE = 2
NSUB = 16
NW = NCORE * NSUB
K = 80
EP = NW * C * K
JUNK = NA - 8
RPS = NA // NSUB
PRS = N // NSUB
BM = 1000



def _sc_body(with_deg, d, *refs):
    if with_deg:
        (p_hbm, src_hbm, dst_hbm, zrow_hbm, zvec_hbm,
         agg_hbm, deg_hbm,
         accum_s, p_s, src_v, dst_v, rows0, rows1,
         gsem0, gsem1, ssem0, ssem1, psem, deg_s, ones_v, dsem) = refs
    else:
        (p_hbm, src_hbm, dst_hbm, zrow_hbm,
         agg_hbm,
         accum_s, p_s, src_v, dst_v, rows0, rows1,
         gsem0, gsem1, ssem0, ssem1, psem) = refs
    rows = (rows0, rows1)
    gsem = (gsem0, gsem1)
    ssem = (ssem0, ssem1)
    c = lax.axis_index("c")
    s = lax.axis_index("s")
    wid = c * NSUB + s

    zbase = s * RPS
    pro = []
    for j in range(RPS // 128):
        pro.append(pltpu.async_copy(zrow_hbm,
                                    accum_s.at[pl.ds(zbase + j * 128, 128)],
                                    psem))
    pro.append(pltpu.async_copy(p_hbm.at[pl.ds(s * PRS, PRS)],
                                p_s.at[pl.ds(s * PRS, PRS)], psem))
    pro.append(pltpu.async_copy(src_hbm.at[pl.ds(wid * K, K)], src_v, psem))
    pro.append(pltpu.async_copy(dst_hbm.at[pl.ds(wid * K, K)], dst_v, psem))
    if with_deg:
        pro.append(pltpu.async_copy(zvec_hbm.at[pl.ds(0, RPS)],
                                    deg_s.at[pl.ds(zbase, RPS)], psem))
        for j in range(C // 16):
            ones_v[pl.ds(j * 16, 16)] = jnp.full((16,), 1.0, F32)
    for cp in pro:
        cp.wait()
    plsc.subcore_barrier()

    pltpu.async_copy(p_s.at[src_v.at[0]], rows0, gsem0)

    def outer(j2, carry):
        for b in range(2):
            j = j2 * 2 + b
            pltpu.make_async_copy(p_s.at[src_v.at[j]], rows[b],
                                  gsem[b]).wait()
            pltpu.async_copy(rows[b], accum_s.at[dst_v.at[j]], ssem[b],
                             add=True)
            if with_deg:
                pltpu.async_copy(ones_v, deg_s.at[dst_v.at[j]], dsem, add=True)

            @pl.when(j + 1 < K)
            def _issue():
                @pl.when(j >= 1)
                def _drain():
                    pltpu.make_async_copy(rows[1 - b],
                                          accum_s.at[dst_v.at[j - 1]],
                                          ssem[1 - b]).wait()
                pltpu.async_copy(p_s.at[src_v.at[j + 1]], rows[1 - b],
                                 gsem[1 - b])
        return carry

    lax.fori_loop(0, K // 2, outer, 0)
    pltpu.make_async_copy(rows0, accum_s.at[dst_v.at[K - 2]], ssem0).wait()
    pltpu.make_async_copy(rows1, accum_s.at[dst_v.at[K - 1]], ssem1).wait()
    if with_deg:
        pltpu.make_async_copy(zvec_hbm, deg_s, dsem).wait()
    plsc.subcore_barrier()

    wb = s * RPS
    pltpu.sync_copy(accum_s.at[pl.ds(wb, RPS)], agg_hbm.at[c, pl.ds(wb, RPS)])
    if with_deg:
        pltpu.sync_copy(deg_s.at[pl.ds(wb, RPS)], deg_hbm.at[c, pl.ds(wb, RPS)])


def _sc_segment_sum(p, src, dst, d, with_deg):
    mesh = plsc.VectorSubcoreMesh(core_axis_name="c", subcore_axis_name="s",
                                  num_cores=NCORE, num_subcores=NSUB)
    outs = [jax.ShapeDtypeStruct((NCORE, NA, d), F32)]
    scratch = [
        pltpu.VMEM_SHARED((NA, d), F32),
        pltpu.VMEM_SHARED((NA, d), F32),
        pltpu.VMEM((K, C), I32),
        pltpu.VMEM((K, C), I32),
        pltpu.VMEM((C, d), F32),
        pltpu.VMEM((C, d), F32),
        pltpu.SemaphoreType.DMA,
        pltpu.SemaphoreType.DMA,
        pltpu.SemaphoreType.DMA,
        pltpu.SemaphoreType.DMA,
        pltpu.SemaphoreType.DMA,
    ]
    operands = [p, src, dst, jnp.zeros((128, d), F32)]
    if with_deg:
        outs.append(jax.ShapeDtypeStruct((NCORE, NA), F32))
        scratch += [pltpu.VMEM_SHARED((NA,), F32),
                    pltpu.VMEM((C,), F32),
                    pltpu.SemaphoreType.DMA]
        operands.append(jnp.zeros((NA,), F32))
    fn = pl.kernel(functools.partial(_sc_body, with_deg, d),
                   out_type=tuple(outs), mesh=mesh, scratch_types=scratch,
                   compiler_params=pltpu.CompilerParams(
                       use_tc_tiling_on_sc=False))
    return fn(*operands)



def _dotT(a, w):
    return lax.dot_general(a, w, (((1,), (1,)), ((), ())),
                           preferred_element_type=F32)


def _tc_pre_body(x_ref, wl_ref, wr_ref, b_ref, p_ref, s_ref):
    xb = x_ref[...]
    p_ref[...] = _dotT(xb, wl_ref[...])
    s_ref[...] = _dotT(xb, wr_ref[...]) + b_ref[...][None, :]


def _tc_mid_body(a0, a1, d0, d1, s1, wl, wr, b, p_ref, s_ref):
    inv = 1.0 / jnp.maximum(d0[...] + d1[...], 1.0)
    h = jnp.maximum((a0[...] + a1[...]) * inv + s1[...], 0.0)
    p_ref[...] = _dotT(h, wl[...])
    s_ref[...] = _dotT(h, wr[...]) + b[...][None, :]


def _tc_post_body(a0, a1, d0, d1, s2, w1, b1, w2, b2, o_ref):
    inv = 1.0 / jnp.maximum(d0[...] + d1[...], 1.0)
    h = jnp.maximum((a0[...] + a1[...]) * inv + s2[...], 0.0)
    h = jnp.maximum(_dotT(h, w1[...]) + b1[...][None, :], 0.0)
    o_ref[...] = _dotT(h, w2[...]) + b2[...][None, :]


def _row_spec(dcols):
    return pl.BlockSpec((BM, dcols), lambda i: (i, 0))


def _full_spec(r, c):
    return pl.BlockSpec((r, c), lambda i: (0, 0))


def _vec_spec(n):
    return pl.BlockSpec((n,), lambda i: (0,))


def _tc_pre(xp, wl, wr, b):
    return pl.pallas_call(
        _tc_pre_body,
        grid=(NA // BM,),
        in_specs=[_row_spec(128), _full_spec(64, 128), _full_spec(64, 128),
                  _vec_spec(64)],
        out_specs=[_row_spec(64), _row_spec(64)],
        out_shape=[jax.ShapeDtypeStruct((N, 64), F32)] * 2,
    )(xp, wl, wr, b)


def _tc_mid(a0, a1, d0, d1, s1, wl, wr, b):
    return pl.pallas_call(
        _tc_mid_body,
        grid=(NA // BM,),
        in_specs=[_row_spec(64), _row_spec(64), _row_spec(1), _row_spec(1),
                  _row_spec(64), _full_spec(32, 64), _full_spec(32, 64),
                  _vec_spec(32)],
        out_specs=[_row_spec(32), _row_spec(32)],
        out_shape=[jax.ShapeDtypeStruct((N, 32), F32)] * 2,
    )(a0, a1, d0, d1, s1, wl, wr, b)


def _tc_post(a0, a1, d0, d1, s2, w1, b1, w2, b2):
    return pl.pallas_call(
        _tc_post_body,
        grid=(NA // BM,),
        in_specs=[_row_spec(32), _row_spec(32), _row_spec(1), _row_spec(1),
                  _row_spec(32), _full_spec(16, 32), _vec_spec(16),
                  _full_spec(2, 16), _vec_spec(2)],
        out_specs=_row_spec(2),
        out_shape=jax.ShapeDtypeStruct((N, 2), F32),
    )(a0, a1, d0, d1, s2, w1, b1, w2, b2)



def kernel(x, edge_index, W1l, W1r, b1, W2l, W2r, b2, Wc1, bc1, Wc2, bc2):
    x = x.astype(F32)
    ei = edge_index.astype(I32)
    src = jnp.concatenate([ei[0], jnp.zeros((EP - E,), I32)]).reshape(NW * K, C)
    dst = jnp.concatenate([ei[1], jnp.full((EP - E,), JUNK, I32)]).reshape(NW * K, C)
    p1, s1 = _tc_pre(x, W1l, W1r, b1)
    agg1, deg = _sc_segment_sum(p1, src, dst, 64, with_deg=True)
    d0 = deg[0].reshape(NA, 1)
    d1 = deg[1].reshape(NA, 1)
    p2, s2 = _tc_mid(agg1[0], agg1[1], d0, d1, s1, W2l, W2r, b2)
    (agg2,) = _sc_segment_sum(p2, src, dst, 32, with_deg=False)
    return _tc_post(agg2[0], agg2[1], d0, d1, s2, Wc1, bc1, Wc2, bc2)

# --- scband reference (transcript-rebuilt; emitter-appended) ---
"""Pipeline reference for scband-hydra-gnn-7773890806311 (READ-ONLY COPY).

The authoritative reference and input builder live on the scoring server;
editing this copy changes nothing except your own understanding.
"""

import jax, jax.numpy as jnp
import numpy as np

N_NODES = 10000
N_EDGES = 320000
D_IN = 128
HID = 64


def setup_inputs(seed: int = 0) -> dict:
    key = jax.random.key(seed)
    ks = jax.random.split(key, 16)
    x = jax.random.normal(ks[0], (N_NODES, D_IN), dtype=jnp.float32)
    edge_index = jax.random.randint(ks[1], (2, N_EDGES), 0, N_NODES, dtype=jnp.int64)
    # SAGEConv layer 1: in=128 -> out=64 (lin_l has bias, lin_r no bias, PyG convention)
    W1l = jax.random.normal(ks[2], (HID, D_IN), dtype=jnp.float32) * (1.0 / np.sqrt(D_IN))
    W1r = jax.random.normal(ks[3], (HID, D_IN), dtype=jnp.float32) * (1.0 / np.sqrt(D_IN))
    b1 = jnp.zeros((HID,), dtype=jnp.float32)
    # SAGEConv layer 2: in=64 -> out=32 (hidden_channels // 2)
    W2l = jax.random.normal(ks[4], (HID // 2, HID), dtype=jnp.float32) * (1.0 / np.sqrt(HID))
    W2r = jax.random.normal(ks[5], (HID // 2, HID), dtype=jnp.float32) * (1.0 / np.sqrt(HID))
    b2 = jnp.zeros((HID // 2,), dtype=jnp.float32)
    # classifier: Linear(32, 16) -> ReLU -> Linear(16, 2)
    Wc1 = jax.random.normal(ks[6], (16, HID // 2), dtype=jnp.float32) * (1.0 / np.sqrt(HID // 2))
    bc1 = jnp.zeros((16,), dtype=jnp.float32)
    Wc2 = jax.random.normal(ks[7], (2, 16), dtype=jnp.float32) * (1.0 / np.sqrt(16))
    bc2 = jnp.zeros((2,), dtype=jnp.float32)
    return {"x": x, "edge_index": edge_index, "W1l": W1l, "W1r": W1r, "b1": b1,
            "W2l": W2l, "W2r": W2r, "b2": b2, "Wc1": Wc1, "bc1": bc1, "Wc2": Wc2, "bc2": bc2}


def _sage_conv(x, edge_index, Wl, Wr, b):
    # PyG SAGEConv with mean aggregation:
    #   out = lin_l(mean_{j in N(i)} x_j) + lin_r(x_i)
    src = edge_index[0]
    dst = edge_index[1]
    msgs = jnp.take(x, src, axis=0)  # gather source-node features per edge
    agg = jax.ops.segment_sum(msgs, dst, num_segments=x.shape[0])
    deg = jax.ops.segment_sum(jnp.ones((edge_index.shape[1],), dtype=x.dtype), dst,
                              num_segments=x.shape[0])
    agg = agg / jnp.clip(deg, 1.0, None)[:, None]
    return agg @ Wl.T + b + x @ Wr.T


def reference(x, edge_index, W1l, W1r, b1, W2l, W2r, b2, Wc1, bc1, Wc2, bc2):
    # dropout is identity in eval mode (training=False)
    h = _sage_conv(x, edge_index, W1l, W1r, b1)
    h = jax.nn.relu(h)
    h = _sage_conv(h, edge_index, W2l, W2r, b2)
    h = jax.nn.relu(h)
    h = h @ Wc1.T + bc1
    h = jax.nn.relu(h)
    out = h @ Wc2.T + bc2
    return out

if __name__ == "__main__":
    import jax
    _d = setup_inputs()
    print(jax.jit(kernel)(*tuple(_d.values())))

</pallas_src>

<mosaic_0001>
#map = affine_map<(d0, d1) -> (0, 0)>
#map1 = affine_map<(d0, d1) -> (0)>
#map2 = affine_map<(d0, d1) -> (0, 0, 0)>
module attributes {stable_mosaic.version = 14 : i64} {
  func.func @_sc_body(%arg0: i32, %arg1: i32, %arg2: memref<10000x64xf32, #tpu.memory_space<hbm>>, %arg3: memref<2560x128xi32, #tpu.memory_space<hbm>>, %arg4: memref<2560x128xi32, #tpu.memory_space<hbm>>, %arg5: memref<128x64xf32, #tpu.memory_space<hbm>>, %arg6: memref<10240xf32, #tpu.memory_space<hbm>>, %arg7: memref<2x10240x64xf32, #tpu.memory_space<hbm>>, %arg8: memref<2x10240xf32, #tpu.memory_space<hbm>>, %arg9: memref<10240x64xf32, #tpu.memory_space<vmem_shared>>, %arg10: memref<10240x64xf32, #tpu.memory_space<vmem_shared>>, %arg11: memref<80x128xi32, #tpu.memory_space<vmem>>, %arg12: memref<80x128xi32, #tpu.memory_space<vmem>>, %arg13: memref<128x64xf32, #tpu.memory_space<vmem>>, %arg14: memref<128x64xf32, #tpu.memory_space<vmem>>, %arg15: memref<!tpu.dma_semaphore, #tpu.memory_space<semaphore_mem>>, %arg16: memref<!tpu.dma_semaphore, #tpu.memory_space<semaphore_mem>>, %arg17: memref<!tpu.dma_semaphore, #tpu.memory_space<semaphore_mem>>, %arg18: memref<!tpu.dma_semaphore, #tpu.memory_space<semaphore_mem>>, %arg19: memref<!tpu.dma_semaphore, #tpu.memory_space<semaphore_mem>>, %arg20: memref<10240xf32, #tpu.memory_space<vmem_shared>>, %arg21: memref<128xf32, #tpu.memory_space<vmem>>, %arg22: memref<!tpu.dma_semaphore, #tpu.memory_space<semaphore_mem>>) attributes {dimension_semantics = [#tpu.dimension_semantics<core_parallel>, #tpu.dimension_semantics<subcore_parallel>], iteration_bounds = array<i64: 2, 16>, scalar_prefetch = 0 : i64, scratch_operands = 14 : i64, tpu.core_type = #tpu.core_type<sc_vector_subcore>, window_params = [{transform_indices = #map}, {transform_indices = #map}, {transform_indices = #map}, {transform_indices = #map}, {transform_indices = #map1}, {transform_indices = #map2}, {transform_indices = #map}]} {
    %mul3A = arith.constant 16 : i32
    %mul3A_0 = arith.muli %arg0, %mul3A : i32
    %add3A = arith.addi %mul3A_0, %arg1 : i32
    %mul3A_1 = arith.constant 640 : i32
    %mul3A_2 = arith.muli %arg1, %mul3A_1 : i32
    %add3A_3 = arith.constant 0 : i32
    %add3A_4 = arith.addi %mul3A_2, %add3A_3 : i32
    %dma_start3A = arith.constant 0 : i32
    %dma_start3A_5 = tpu.memref_slice %arg9[%add3A_4, %dma_start3A] : memref<10240x64xf32, #tpu.memory_space<vmem_shared>> -> memref<128x64xf32, #tpu.memory_space<vmem_shared>>
    tpu.enqueue_dma source(%arg5 : memref<128x64xf32, #tpu.memory_space<hbm>>) target(%dma_start3A_5 : memref<128x64xf32, #tpu.memory_space<vmem_shared>>) target_semaphore(%arg19 : memref<!tpu.dma_semaphore, #tpu.memory_space<semaphore_mem>>)
    %add3A_6 = arith.constant 128 : i32
    %add3A_7 = arith.addi %mul3A_2, %add3A_6 : i32
    %dma_start3A_8 = arith.constant 0 : i32
    %dma_start3A_9 = tpu.memref_slice %arg9[%add3A_7, %dma_start3A_8] : memref<10240x64xf32, #tpu.memory_space<vmem_shared>> -> memref<128x64xf32, #tpu.memory_space<vmem_shared>>
    tpu.enqueue_dma source(%arg5 : memref<128x64xf32, #tpu.memory_space<hbm>>) target(%dma_start3A_9 : memref<128x64xf32, #tpu.memory_space<vmem_shared>>) target_semaphore(%arg19 : memref<!tpu.dma_semaphore, #tpu.memory_space<semaphore_mem>>)
    %add3A_10 = arith.constant 256 : i32
    %add3A_11 = arith.addi %mul3A_2, %add3A_10 : i32
    %dma_start3A_12 = arith.constant 0 : i32
    %dma_start3A_13 = tpu.memref_slice %arg9[%add3A_11, %dma_start3A_12] : memref<10240x64xf32, #tpu.memory_space<vmem_shared>> -> memref<128x64xf32, #tpu.memory_space<vmem_shared>>
    tpu.enqueue_dma source(%arg5 : memref<128x64xf32, #tpu.memory_space<hbm>>) target(%dma_start3A_13 : memref<128x64xf32, #tpu.memory_space<vmem_shared>>) target_semaphore(%arg19 : memref<!tpu.dma_semaphore, #tpu.memory_space<semaphore_mem>>)
    %add3A_14 = arith.constant 384 : i32
    %add3A_15 = arith.addi %mul3A_2, %add3A_14 : i32
    %dma_start3A_16 = arith.constant 0 : i32
    %dma_start3A_17 = tpu.memref_slice %arg9[%add3A_15, %dma_start3A_16] : memref<10240x64xf32, #tpu.memory_space<vmem_shared>> -> memref<128x64xf32, #tpu.memory_space<vmem_shared>>
    tpu.enqueue_dma source(%arg5 : memref<128x64xf32, #tpu.memory_space<hbm>>) target(%dma_start3A_17 : memref<128x64xf32, #tpu.memory_space<vmem_shared>>) target_semaphore(%arg19 : memref<!tpu.dma_semaphore, #tpu.memory_space<semaphore_mem>>)
    %add3A_18 = arith.constant 512 : i32
    %add3A_19 = arith.addi %mul3A_2, %add3A_18 : i32
    %dma_start3A_20 = arith.constant 0 : i32
    %dma_start3A_21 = tpu.memref_slice %arg9[%add3A_19, %dma_start3A_20] : memref<10240x64xf32, #tpu.memory_space<vmem_shared>> -> memref<128x64xf32, #tpu.memory_space<vmem_shared>>
    tpu.enqueue_dma source(%arg5 : memref<128x64xf32, #tpu.memory_space<hbm>>) target(%dma_start3A_21 : memref<128x64xf32, #tpu.memory_space<vmem_shared>>) target_semaphore(%arg19 : memref<!tpu.dma_semaphore, #tpu.memory_space<semaphore_mem>>)
    %mul3A_22 = arith.constant 625 : i32
    %mul3A_23 = arith.muli %arg1, %mul3A_22 : i32
    %mul3A_24 = arith.constant 625 : i32
    %mul3A_25 = arith.muli %arg1, %mul3A_24 : i32
    %dma_start3A_26 = arith.constant 0 : i32
    %dma_start3A_27 = tpu.memref_slice %arg10[%mul3A_25, %dma_start3A_26] : memref<10240x64xf32, #tpu.memory_space<vmem_shared>> -> memref<625x64xf32, #tpu.memory_space<vmem_shared>>
    %dma_start3A_28 = arith.constant 0 : i32
    %dma_start3A_29 = tpu.memref_slice %arg2[%mul3A_23, %dma_start3A_28] : memref<10000x64xf32, #tpu.memory_space<hbm>> -> memref<625x64xf32, #tpu.memory_space<hbm>>
    tpu.enqueue_dma source(%dma_start3A_29 : memref<625x64xf32, #tpu.memory_space<hbm>>) target(%dma_start3A_27 : memref<625x64xf32, #tpu.memory_space<vmem_shared>>) target_semaphore(%arg19 : memref<!tpu.dma_semaphore, #tpu.memory_space<semaphore_mem>>)
    %mul3A_30 = arith.constant 80 : i32
    %mul3A_31 = arith.muli %add3A, %mul3A_30 : i32
    %dma_start3A_32 = arith.constant 0 : i32
    %dma_start3A_33 = tpu.memref_slice %arg3[%mul3A_31, %dma_start3A_32] : memref<2560x128xi32, #tpu.memory_space<hbm>> -> memref<80x128xi32, #tpu.memory_space<hbm>>
    %dma_start3A_34 = arith.constant 0 : i32
    %dma_start3A_35 = tpu.memref_slice %arg3[%mul3A_31, %dma_start3A_34] : memref<2560x128xi32, #tpu.memory_space<hbm>> -> memref<80x128xi32, #tpu.memory_space<hbm>>
    tpu.enqueue_dma source(%dma_start3A_35 : memref<80x128xi32, #tpu.memory_space<hbm>>) target(%arg11 : memref<80x128xi32, #tpu.memory_space<vmem>>) target_semaphore(%arg19 : memref<!tpu.dma_semaphore, #tpu.memory_space<semaphore_mem>>)
    %mul3A_36 = arith.constant 80 : i32
    %mul3A_37 = arith.muli %add3A, %mul3A_36 : i32
    %dma_start3A_38 = arith.constant 0 : i32
    %dma_start3A_39 = tpu.memref_slice %arg4[%mul3A_37, %dma_start3A_38] : memref<2560x128xi32, #tpu.memory_space<hbm>> -> memref<80x128xi32, #tpu.memory_space<hbm>>
    %dma_start3A_40 = arith.constant 0 : i32
    %dma_start3A_41 = tpu.memref_slice %arg4[%mul3A_37, %dma_start3A_40] : memref<2560x128xi32, #tpu.memory_space<hbm>> -> memref<80x128xi32, #tpu.memory_space<hbm>>
    tpu.enqueue_dma source(%dma_start3A_41 : memref<80x128xi32, #tpu.memory_space<hbm>>) target(%arg12 : memref<80x128xi32, #tpu.memory_space<vmem>>) target_semaphore(%arg19 : memref<!tpu.dma_semaphore, #tpu.memory_space<semaphore_mem>>)
    %dma_start3A_42 = tpu.memref_slice %arg20[%mul3A_2] : memref<10240xf32, #tpu.memory_space<vmem_shared>> -> memref<640xf32, #tpu.memory_space<vmem_shared>>
    %dma_start3A_43 = arith.constant 0 : i32
    %dma_start3A_44 = tpu.memref_slice %arg6[%dma_start3A_43] : memref<10240xf32, #tpu.memory_space<hbm>> -> memref<640xf32, #tpu.memory_space<hbm>>
    tpu.enqueue_dma source(%dma_start3A_44 : memref<640xf32, #tpu.memory_space<hbm>>) target(%dma_start3A_42 : memref<640xf32, #tpu.memory_space<vmem_shared>>) target_semaphore(%arg19 : memref<!tpu.dma_semaphore, #tpu.memory_space<semaphore_mem>>)
    %broadcast_in_dim3A = arith.constant 1.000000e+00 : f32
    %broadcast_in_dim3A_45 = vector.broadcast %broadcast_in_dim3A : f32 to vector<16xf32>
    %swap3A = arith.constant 0 : index
    %swap3A_46 = tpu.vector_load %arg21[%swap3A] {strides = array<i32>} : memref<128xf32, #tpu.memory_space<vmem>>, vector<16xf32>,
    %swap3A_47 = vector.shape_cast %swap3A_46 : vector<16xf32> to vector<16xf32>
    %swap3A_48 = vector.shape_cast %broadcast_in_dim3A_45 : vector<16xf32> to vector<16xf32>
    tpu.vector_store %arg21[%swap3A], %swap3A_48 {strides = array<i32>} : memref<128xf32, #tpu.memory_space<vmem>>, vector<16xf32>,
    %broadcast_in_dim3A_49 = arith.constant 1.000000e+00 : f32
    %broadcast_in_dim3A_50 = vector.broadcast %broadcast_in_dim3A_49 : f32 to vector<16xf32>
    %swap3A_51 = arith.constant 16 : index
    %swap3A_52 = tpu.vector_load %arg21[%swap3A_51] {strides = array<i32>} : memref<128xf32, #tpu.memory_space<vmem>>, vector<16xf32>,
    %swap3A_53 = vector.shape_cast %swap3A_52 : vector<16xf32> to vector<16xf32>
    %swap3A_54 = vector.shape_cast %broadcast_in_dim3A_50 : vector<16xf32> to vector<16xf32>
    tpu.vector_store %arg21[%swap3A_51], %swap3A_54 {strides = array<i32>} : memref<128xf32, #tpu.memory_space<vmem>>, vector<16xf32>,
    %broadcast_in_dim3A_55 = arith.constant 1.000000e+00 : f32
    %broadcast_in_dim3A_56 = vector.broadcast %broadcast_in_dim3A_55 : f32 to vector<16xf32>
    %swap3A_57 = arith.constant 32 : index
    %swap3A_58 = tpu.vector_load %arg21[%swap3A_57] {strides = array<i32>} : memref<128xf32, #tpu.memory_space<vmem>>, vector<16xf32>,
    %swap3A_59 = vector.shape_cast %swap3A_58 : vector<16xf32> to vector<16xf32>
    %swap3A_60 = vector.shape_cast %broadcast_in_dim3A_56 : vector<16xf32> to vector<16xf32>
    tpu.vector_store %arg21[%swap3A_57], %swap3A_60 {strides = array<i32>} : memref<128xf32, #tpu.memory_space<vmem>>, vector<16xf32>,
    %broadcast_in_dim3A_61 = arith.constant 1.000000e+00 : f32
    %broadcast_in_dim3A_62 = vector.broadcast %broadcast_in_dim3A_61 : f32 to vector<16xf32>
    %swap3A_63 = arith.constant 48 : index
    %swap3A_64 = tpu.vector_load %arg21[%swap3A_63] {strides = array<i32>} : memref<128xf32, #tpu.memory_space<vmem>>, vector<16xf32>,
    %swap3A_65 = vector.shape_cast %swap3A_64 : vector<16xf32> to vector<16xf32>
    %swap3A_66 = vector.shape_cast %broadcast_in_dim3A_62 : vector<16xf32> to vector<16xf32>
    tpu.vector_store %arg21[%swap3A_63], %swap3A_66 {strides = array<i32>} : memref<128xf32, #tpu.memory_space<vmem>>, vector<16xf32>,
    %broadcast_in_dim3A_67 = arith.constant 1.000000e+00 : f32
    %broadcast_in_dim3A_68 = vector.broadcast %broadcast_in_dim3A_67 : f32 to vector<16xf32>
    %swap3A_69 = arith.constant 64 : index
    %swap3A_70 = tpu.vector_load %arg21[%swap3A_69] {strides = array<i32>} : memref<128xf32, #tpu.memory_space<vmem>>, vector<16xf32>,
    %swap3A_71 = vector.shape_cast %swap3A_70 : vector<16xf32> to vector<16xf32>
    %swap3A_72 = vector.shape_cast %broadcast_in_dim3A_68 : vector<16xf32> to vector<16xf32>
    tpu.vector_store %arg21[%swap3A_69], %swap3A_72 {strides = array<i32>} : memref<128xf32, #tpu.memory_space<vmem>>, vector<16xf32>,
    %broadcast_in_dim3A_73 = arith.constant 1.000000e+00 : f32
    %broadcast_in_dim3A_74 = vector.broadcast %broadcast_in_dim3A_73 : f32 to vector<16xf32>
    %swap3A_75 = arith.constant 80 : index
    %swap3A_76 = tpu.vector_load %arg21[%swap3A_75] {strides = array<i32>} : memref<128xf32, #tpu.memory_space<vmem>>, vector<16xf32>,
    %swap3A_77 = vector.shape_cast %swap3A_76 : vector<16xf32> to vector<16xf32>
    %swap3A_78 = vector.shape_cast %broadcast_in_dim3A_74 : vector<16xf32> to vector<16xf32>
    tpu.vector_store %arg21[%swap3A_75], %swap3A_78 {strides = array<i32>} : memref<128xf32, #tpu.memory_space<vmem>>, vector<16xf32>,
    %broadcast_in_dim3A_79 = arith.constant 1.000000e+00 : f32
    %broadcast_in_dim3A_80 = vector.broadcast %broadcast_in_dim3A_79 : f32 to vector<16xf32>
    %swap3A_81 = arith.constant 96 : index
    %swap3A_82 = tpu.vector_load %arg21[%swap3A_81] {strides = array<i32>} : memref<128xf32, #tpu.memory_space<vmem>>, vector<16xf32>,
    %swap3A_83 = vector.shape_cast %swap3A_82 : vector<16xf32> to vector<16xf32>
    %swap3A_84 = vector.shape_cast %broadcast_in_dim3A_80 : vector<16xf32> to vector<16xf32>
    tpu.vector_store %arg21[%swap3A_81], %swap3A_84 {strides = array<i32>} : memref<128xf32, #tpu.memory_space<vmem>>, vector<16xf32>,
    %broadcast_in_dim3A_85 = arith.constant 1.000000e+00 : f32
    %broadcast_in_dim3A_86 = vector.broadcast %broadcast_in_dim3A_85 : f32 to vector<16xf32>
    %swap3A_87 = arith.constant 112 : index
    %swap3A_88 = tpu.vector_load %arg21[%swap3A_87] {strides = array<i32>} : memref<128xf32, #tpu.memory_space<vmem>>, vector<16xf32>,
    %swap3A_89 = vector.shape_cast %swap3A_88 : vector<16xf32> to vector<16xf32>
    %swap3A_90 = vector.shape_cast %broadcast_in_dim3A_86 : vector<16xf32> to vector<16xf32>
    tpu.vector_store %arg21[%swap3A_87], %swap3A_90 {strides = array<i32>} : memref<128xf32, #tpu.memory_space<vmem>>, vector<16xf32>,
    %dma_wait3A = arith.constant 0 : i32
    %dma_wait3A_91 = tpu.memref_slice %arg9[%add3A_4, %dma_wait3A] : memref<10240x64xf32, #tpu.memory_space<vmem_shared>> -> memref<128x64xf32, #tpu.memory_space<vmem_shared>>
    tpu.wait_dma2 semaphore(%arg19 : memref<!tpu.dma_semaphore, #tpu.memory_space<semaphore_mem>>) src(%arg5 : memref<128x64xf32, #tpu.memory_space<hbm>>) dst(%dma_wait3A_91 : memref<128x64xf32, #tpu.memory_space<vmem_shared>>)
    %dma_wait3A_92 = arith.constant 0 : i32
    %dma_wait3A_93 = tpu.memref_slice %arg9[%add3A_7, %dma_wait3A_92] : memref<10240x64xf32, #tpu.memory_space<vmem_shared>> -> memref<128x64xf32, #tpu.memory_space<vmem_shared>>
    tpu.wait_dma2 semaphore(%arg19 : memref<!tpu.dma_semaphore, #tpu.memory_space<semaphore_mem>>) src(%arg5 : memref<128x64xf32, #tpu.memory_space<hbm>>) dst(%dma_wait3A_93 : memref<128x64xf32, #tpu.memory_space<vmem_shared>>)
    %dma_wait3A_94 = arith.constant 0 : i32
    %dma_wait3A_95 = tpu.memref_slice %arg9[%add3A_11, %dma_wait3A_94] : memref<10240x64xf32, #tpu.memory_space<vmem_shared>> -> memref<128x64xf32, #tpu.memory_space<vmem_shared>>
    tpu.wait_dma2 semaphore(%arg19 : memref<!tpu.dma_semaphore, #tpu.memory_space<semaphore_mem>>) src(%arg5 : memref<128x64xf32, #tpu.memory_space<hbm>>) dst(%dma_wait3A_95 : memref<128x64xf32, #tpu.memory_space<vmem_shared>>)
    %dma_wait3A_96 = arith.constant 0 : i32
    %dma_wait3A_97 = tpu.memref_slice %arg9[%add3A_15, %dma_wait3A_96] : memref<10240x64xf32, #tpu.memory_space<vmem_shared>> -> memref<128x64xf32, #tpu.memory_space<vmem_shared>>
    tpu.wait_dma2 semaphore(%arg19 : memref<!tpu.dma_semaphore, #tpu.memory_space<semaphore_mem>>) src(%arg5 : memref<128x64xf32, #tpu.memory_space<hbm>>) dst(%dma_wait3A_97 : memref<128x64xf32, #tpu.memory_space<vmem_shared>>)
    %dma_wait3A_98 = arith.constant 0 : i32
    %dma_wait3A_99 = tpu.memref_slice %arg9[%add3A_19, %dma_wait3A_98] : memref<10240x64xf32, #tpu.memory_space<vmem_shared>> -> memref<128x64xf32, #tpu.memory_space<vmem_shared>>
    tpu.wait_dma2 semaphore(%arg19 : memref<!tpu.dma_semaphore, #tpu.memory_space<semaphore_mem>>) src(%arg5 : memref<128x64xf32, #tpu.memory_space<hbm>>) dst(%dma_wait3A_99 : memref<128x64xf32, #tpu.memory_space<vmem_shared>>)
    %dma_wait3A_100 = arith.constant 0 : i32
    %dma_wait3A_101 = tpu.memref_slice %arg10[%mul3A_25, %dma_wait3A_100] : memref<10240x64xf32, #tpu.memory_space<vmem_shared>> -> memref<625x64xf32, #tpu.memory_space<vmem_shared>>
    %dma_wait3A_102 = arith.constant 0 : i32
    %dma_wait3A_103 = tpu.memref_slice %arg2[%mul3A_23, %dma_wait3A_102] : memref<10000x64xf32, #tpu.memory_space<hbm>> -> memref<625x64xf32, #tpu.memory_space<hbm>>
    tpu.wait_dma2 semaphore(%arg19 : memref<!tpu.dma_semaphore, #tpu.memory_space<semaphore_mem>>) src(%dma_wait3A_103 : memref<625x64xf32, #tpu.memory_space<hbm>>) dst(%dma_wait3A_101 : memref<625x64xf32, #tpu.memory_space<vmem_shared>>)
    %dma_wait3A_104 = arith.constant 0 : i32
    %dma_wait3A_105 = tpu.memref_slice %arg3[%mul3A_31, %dma_wait3A_104] : memref<2560x128xi32, #tpu.memory_space<hbm>> -> memref<80x128xi32, #tpu.memory_space<hbm>>
    %dma_wait3A_106 = arith.constant 0 : i32
    %dma_wait3A_107 = tpu.memref_slice %arg3[%mul3A_31, %dma_wait3A_106] : memref<2560x128xi32, #tpu.memory_space<hbm>> -> memref<80x128xi32, #tpu.memory_space<hbm>>
    tpu.wait_dma2 semaphore(%arg19 : memref<!tpu.dma_semaphore, #tpu.memory_space<semaphore_mem>>) src(%dma_wait3A_107 : memref<80x128xi32, #tpu.memory_space<hbm>>) dst(%arg11 : memref<80x128xi32, #tpu.memory_space<vmem>>)
    %dma_wait3A_108 = arith.constant 0 : i32
    %dma_wait3A_109 = tpu.memref_slice %arg4[%mul3A_37, %dma_wait3A_108] : memref<2560x128xi32, #tpu.memory_space<hbm>> -> memref<80x128xi32, #tpu.memory_space<hbm>>
    %dma_wait3A_110 = arith.constant 0 : i32
    %dma_wait3A_111 = tpu.memref_slice %arg4[%mul3A_37, %dma_wait3A_110] : memref<2560x128xi32, #tpu.memory_space<hbm>> -> memref<80x128xi32, #tpu.memory_space<hbm>>
    tpu.wait_dma2 semaphore(%arg19 : memref<!tpu.dma_semaphore, #tpu.memory_space<semaphore_mem>>) src(%dma_wait3A_111 : memref<80x128xi32, #tpu.memory_space<hbm>>) dst(%arg12 : memref<80x128xi32, #tpu.memory_space<vmem>>)
    %dma_wait3A_112 = tpu.memref_slice %arg20[%mul3A_2] : memref<10240xf32, #tpu.memory_space<vmem_shared>> -> memref<640xf32, #tpu.memory_space<vmem_shared>>
    %dma_wait3A_113 = arith.constant 0 : i32
    %dma_wait3A_114 = tpu.memref_slice %arg6[%dma_wait3A_113] : memref<10240xf32, #tpu.memory_space<hbm>> -> memref<640xf32, #tpu.memory_space<hbm>>
    tpu.wait_dma2 semaphore(%arg19 : memref<!tpu.dma_semaphore, #tpu.memory_space<semaphore_mem>>) src(%dma_wait3A_114 : memref<640xf32, #tpu.memory_space<hbm>>) dst(%dma_wait3A_112 : memref<640xf32, #tpu.memory_space<vmem_shared>>)
    %barrier3A = arith.constant 0 : index
    tpu.barrier barrier_id(%barrier3A)
    %dma_start3A_115 = arith.constant 0 : i32
    %dma_start3A_116 = arith.constant 0 : i32
    %dma_start3A_117 = tpu.memref_slice %arg11[%dma_start3A_115, %dma_start3A_116] : memref<80x128xi32, #tpu.memory_space<vmem>> -> memref<1x128xi32, #tpu.memory_space<vmem>>
    %dma_start3A_118 = tpu.memref_squeeze %dma_start3A_117 : memref<1x128xi32, #tpu.memory_space<vmem>> -> memref<128xi32, #tpu.memory_space<vmem>>
    %dma_start3A_119 = arith.constant 0 : i32
    %dma_start3A_120 = arith.constant 0 : i32
    %dma_start3A_121 = tpu.memref_slice %arg10[%dma_start3A_119, %dma_start3A_120] : memref<10240x64xf32, #tpu.memory_space<vmem_shared>> -> memref<10240x64xf32, #tpu.memory_space<vmem_shared>>
    tpu.enqueue_indirect_dma source(%dma_start3A_121 : memref<10240x64xf32, #tpu.memory_space<vmem_shared>>) target(%arg13 : memref<128x64xf32, #tpu.memory_space<vmem>>) offsets(%dma_start3A_118 : memref<128xi32, #tpu.memory_space<vmem>>) semaphore(%arg15 : memref<!tpu.dma_semaphore, #tpu.memory_space<semaphore_mem>>)
    %scan3A = arith.constant 0 : i32
    %scan3A_122 = arith.constant 0 : i32
    %scan3A_123 = arith.constant 40 : i32
    %scan3A_124 = arith.addi %scan3A_122, %scan3A_123 : i32
    %scan3A_125 = arith.constant 1 : i32
    scf.for %scan3A_144 = %scan3A_122 to %scan3A_124 step %scan3A_125  : i32 {
      %mul3A_145 = arith.constant 2 : i32
      %mul3A_146 = arith.muli %scan3A_144, %mul3A_145 : i32
      %add3A_147 = arith.constant 0 : i32
      %add3A_148 = arith.addi %mul3A_146, %add3A_147 : i32
      %dma_wait3A_149 = arith.constant 0 : i32
      %dma_wait3A_150 = tpu.memref_slice %arg11[%add3A_148, %dma_wait3A_149] : memref<80x128xi32, #tpu.memory_space<vmem>> -> memref<1x128xi32, #tpu.memory_space<vmem>>
      %dma_wait3A_151 = tpu.memref_squeeze %dma_wait3A_150 : memref<1x128xi32, #tpu.memory_space<vmem>> -> memref<128xi32, #tpu.memory_space<vmem>>
      %dma_wait3A_152 = arith.constant 0 : i32
      %dma_wait3A_153 = arith.constant 0 : i32
      %dma_wait3A_154 = tpu.memref_slice %arg10[%dma_wait3A_152, %dma_wait3A_153] : memref<10240x64xf32, #tpu.memory_space<vmem_shared>> -> memref<10240x64xf32, #tpu.memory_space<vmem_shared>>
      tpu.wait_indirect_dma semaphore(%arg15 : memref<!tpu.dma_semaphore, #tpu.memory_space<semaphore_mem>>) src(%dma_wait3A_154 : memref<10240x64xf32, #tpu.memory_space<vmem_shared>>) dst(%arg13 : memref<128x64xf32, #tpu.memory_space<vmem>>)
      %dma_start3A_155 = arith.constant 0 : i32
      %dma_start3A_156 = tpu.memref_slice %arg12[%add3A_148, %dma_start3A_155] : memref<80x128xi32, #tpu.memory_space<vmem>> -> memref<1x128xi32, #tpu.memory_space<vmem>>
      %dma_start3A_157 = tpu.memref_squeeze %dma_start3A_156 : memref<1x128xi32, #tpu.memory_space<vmem>> -> memref<128xi32, #tpu.memory_space<vmem>>
      %dma_start3A_158 = arith.constant 0 : i32
      %dma_start3A_159 = arith.constant 0 : i32
      %dma_start3A_160 = tpu.memref_slice %arg9[%dma_start3A_158, %dma_start3A_159] : memref<10240x64xf32, #tpu.memory_space<vmem_shared>> -> memref<10240x64xf32, #tpu.memory_space<vmem_shared>>
      tpu.enqueue_indirect_dma source(%arg13 : memref<128x64xf32, #tpu.memory_space<vmem>>) target(%dma_start3A_160 : memref<10240x64xf32, #tpu.memory_space<vmem_shared>>) offsets(%dma_start3A_157 : memref<128xi32, #tpu.memory_space<vmem>>) semaphore(%arg17 : memref<!tpu.dma_semaphore, #tpu.memory_space<semaphore_mem>>) {add = true}
      %dma_start3A_161 = arith.constant 0 : i32
      %dma_start3A_162 = tpu.memref_slice %arg12[%add3A_148, %dma_start3A_161] : memref<80x128xi32, #tpu.memory_space<vmem>> -> memref<1x128xi32, #tpu.memory_space<vmem>>
      %dma_start3A_163 = tpu.memref_squeeze %dma_start3A_162 : memref<1x128xi32, #tpu.memory_space<vmem>> -> memref<128xi32, #tpu.memory_space<vmem>>
      %dma_start3A_164 = arith.constant 0 : i32
      %dma_start3A_165 = tpu.memref_slice %arg20[%dma_start3A_164] : memref<10240xf32, #tpu.memory_space<vmem_shared>> -> memref<10240xf32, #tpu.memory_space<vmem_shared>>
      tpu.enqueue_indirect_dma source(%arg21 : memref<128xf32, #tpu.memory_space<vmem>>) target(%dma_start3A_165 : memref<10240xf32, #tpu.memory_space<vmem_shared>>) offsets(%dma_start3A_163 : memref<128xi32, #tpu.memory_space<vmem>>) semaphore(%arg22 : memref<!tpu.dma_semaphore, #tpu.memory_space<semaphore_mem>>) {add = true}
      %add3A_166 = arith.constant 1 : i32
      %add3A_167 = arith.addi %add3A_148, %add3A_166 : i32
      %lt3A = arith.constant 80 : i32
      %lt3A_168 = arith.cmpi slt, %add3A_167, %lt3A : i32
      %convert_element_type3A = arith.extui %lt3A_168 : i1 to i32
      %cond3A = arith.constant 0 : i32
      %cond3A_169 = arith.cmpi ne, %convert_element_type3A, %cond3A : i32
      scf.if %cond3A_169 {
        %ge3A = arith.constant 1 : i32
        %ge3A_198 = arith.cmpi sge, %add3A_148, %ge3A : i32
        %convert_element_type3A_199 = arith.extui %ge3A_198 : i1 to i32
        %cond3A_200 = arith.constant 0 : i32
        %cond3A_201 = arith.cmpi ne, %convert_element_type3A_199, %cond3A_200 : i32
        scf.if %cond3A_201 {
          %sub3A = arith.constant 1 : i32
          %sub3A_210 = arith.subi %add3A_148, %sub3A : i32
          %dma_wait3A_211 = arith.constant 0 : i32
          %dma_wait3A_212 = tpu.memref_slice %arg12[%sub3A_210, %dma_wait3A_211] : memref<80x128xi32, #tpu.memory_space<vmem>> -> memref<1x128xi32, #tpu.memory_space<vmem>>
          %dma_wait3A_213 = tpu.memref_squeeze %dma_wait3A_212 : memref<1x128xi32, #tpu.memory_space<vmem>> -> memref<128xi32, #tpu.memory_space<vmem>>
          %dma_wait3A_214 = arith.constant 0 : i32
          %dma_wait3A_215 = arith.constant 0 : i32
          %dma_wait3A_216 = tpu.memref_slice %arg9[%dma_wait3A_214, %dma_wait3A_215] : memref<10240x64xf32, #tpu.memory_space<vmem_shared>> -> memref<10240x64xf32, #tpu.memory_space<vmem_shared>>
          tpu.wait_indirect_dma semaphore(%arg18 : memref<!tpu.dma_semaphore, #tpu.memory_space<semaphore_mem>>) src(%arg14 : memref<128x64xf32, #tpu.memory_space<vmem>>) dst(%dma_wait3A_216 : memref<10240x64xf32, #tpu.memory_space<vmem_shared>>)
        } else {
        }
        %add3A_202 = arith.constant 1 : i32
        %add3A_203 = arith.addi %add3A_148, %add3A_202 : i32
        %dma_start3A_204 = arith.constant 0 : i32
        %dma_start3A_205 = tpu.memref_slice %arg11[%add3A_203, %dma_start3A_204] : memref<80x128xi32, #tpu.memory_space<vmem>> -> memref<1x128xi32, #tpu.memory_space<vmem>>
        %dma_start3A_206 = tpu.memref_squeeze %dma_start3A_205 : memref<1x128xi32, #tpu.memory_space<vmem>> -> memref<128xi32, #tpu.memory_space<vmem>>
        %dma_start3A_207 = arith.constant 0 : i32
        %dma_start3A_208 = arith.constant 0 : i32
        %dma_start3A_209 = tpu.memref_slice %arg10[%dma_start3A_207, %dma_start3A_208] : memref<10240x64xf32, #tpu.memory_space<vmem_shared>> -> memref<10240x64xf32, #tpu.memory_space<vmem_shared>>
        tpu.enqueue_indirect_dma source(%dma_start3A_209 : memref<10240x64xf32, #tpu.memory_space<vmem_shared>>) target(%arg14 : memref<128x64xf32, #tpu.memory_space<vmem>>) offsets(%dma_start3A_206 : memref<128xi32, #tpu.memory_space<vmem>>) semaphore(%arg16 : memref<!tpu.dma_semaphore, #tpu.memory_space<semaphore_mem>>)
      } else {
      }
      %mul3A_170 = arith.constant 2 : i32
      %mul3A_171 = arith.muli %scan3A_144, %mul3A_170 : i32
      %add3A_172 = arith.constant 1 : i32
      %add3A_173 = arith.addi %mul3A_171, %add3A_172 : i32
      %dma_wait3A_174 = arith.constant 0 : i32
      %dma_wait3A_175 = tpu.memref_slice %arg11[%add3A_173, %dma_wait3A_174] : memref<80x128xi32, #tpu.memory_space<vmem>> -> memref<1x128xi32, #tpu.memory_space<vmem>>
      %dma_wait3A_176 = tpu.memref_squeeze %dma_wait3A_175 : memref<1x128xi32, #tpu.memory_space<vmem>> -> memref<128xi32, #tpu.memory_space<vmem>>
      %dma_wait3A_177 = arith.constant 0 : i32
      %dma_wait3A_178 = arith.constant 0 : i32
      %dma_wait3A_179 = tpu.memref_slice %arg10[%dma_wait3A_177, %dma_wait3A_178] : memref<10240x64xf32, #tpu.memory_space<vmem_shared>> -> memref<10240x64xf32, #tpu.memory_space<vmem_shared>>
      tpu.wait_indirect_dma semaphore(%arg16 : memref<!tpu.dma_semaphore, #tpu.memory_space<semaphore_mem>>) src(%dma_wait3A_179 : memref<10240x64xf32, #tpu.memory_space<vmem_shared>>) dst(%arg14 : memref<128x64xf32, #tpu.memory_space<vmem>>)
      %dma_start3A_180 = arith.constant 0 : i32
      %dma_start3A_181 = tpu.memref_slice %arg12[%add3A_173, %dma_start3A_180] : memref<80x128xi32, #tpu.memory_space<vmem>> -> memref<1x128xi32, #tpu.memory_space<vmem>>
      %dma_start3A_182 = tpu.memref_squeeze %dma_start3A_181 : memref<1x128xi32, #tpu.memory_space<vmem>> -> memref<128xi32, #tpu.memory_space<vmem>>
      %dma_start3A_183 = arith.constant 0 : i32
      %dma_start3A_184 = arith.constant 0 : i32
      %dma_start3A_185 = tpu.memref_slice %arg9[%dma_start3A_183, %dma_start3A_184] : memref<10240x64xf32, #tpu.memory_space<vmem_shared>> -> memref<10240x64xf32, #tpu.memory_space<vmem_shared>>
      tpu.enqueue_indirect_dma source(%arg14 : memref<128x64xf32, #tpu.memory_space<vmem>>) target(%dma_start3A_185 : memref<10240x64xf32, #tpu.memory_space<vmem_shared>>) offsets(%dma_start3A_182 : memref<128xi32, #tpu.memory_space<vmem>>) semaphore(%arg18 : memref<!tpu.dma_semaphore, #tpu.memory_space<semaphore_mem>>) {add = true}
      %dma_start3A_186 = arith.constant 0 : i32
      %dma_start3A_187 = tpu.memref_slice %arg12[%add3A_173, %dma_start3A_186] : memref<80x128xi32, #tpu.memory_space<vmem>> -> memref<1x128xi32, #tpu.memory_space<vmem>>
      %dma_start3A_188 = tpu.memref_squeeze %dma_start3A_187 : memref<1x128xi32, #tpu.memory_space<vmem>> -> memref<128xi32, #tpu.memory_space<vmem>>
      %dma_start3A_189 = arith.constant 0 : i32
      %dma_start3A_190 = tpu.memref_slice %arg20[%dma_start3A_189] : memref<10240xf32, #tpu.memory_space<vmem_shared>> -> memref<10240xf32, #tpu.memory_space<vmem_shared>>
      tpu.enqueue_indirect_dma source(%arg21 : memref<128xf32, #tpu.memory_space<vmem>>) target(%dma_start3A_190 : memref<10240xf32, #tpu.memory_space<vmem_shared>>) offsets(%dma_start3A_188 : memref<128xi32, #tpu.memory_space<vmem>>) semaphore(%arg22 : memref<!tpu.dma_semaphore, #tpu.memory_space<semaphore_mem>>) {add = true}
      %add3A_191 = arith.constant 1 : i32
      %add3A_192 = arith.addi %add3A_173, %add3A_191 : i32
      %lt3A_193 = arith.constant 80 : i32
      %lt3A_194 = arith.cmpi slt, %add3A_192, %lt3A_193 : i32
      %convert_element_type3A_195 = arith.extui %lt3A_194 : i1 to i32
      %cond3A_196 = arith.constant 0 : i32
      %cond3A_197 = arith.cmpi ne, %convert_element_type3A_195, %cond3A_196 : i32
      scf.if %cond3A_197 {
        %ge3A = arith.constant 1 : i32
        %ge3A_198 = arith.cmpi sge, %add3A_173, %ge3A : i32
        %convert_element_type3A_199 = arith.extui %ge3A_198 : i1 to i32
        %cond3A_200 = arith.constant 0 : i32
        %cond3A_201 = arith.cmpi ne, %convert_element_type3A_199, %cond3A_200 : i32
        scf.if %cond3A_201 {
          %sub3A = arith.constant 1 : i32
          %sub3A_210 = arith.subi %add3A_173, %sub3A : i32
          %dma_wait3A_211 = arith.constant 0 : i32
          %dma_wait3A_212 = tpu.memref_slice %arg12[%sub3A_210, %dma_wait3A_211] : memref<80x128xi32, #tpu.memory_space<vmem>> -> memref<1x128xi32, #tpu.memory_space<vmem>>
          %dma_wait3A_213 = tpu.memref_squeeze %dma_wait3A_212 : memref<1x128xi32, #tpu.memory_space<vmem>> -> memref<128xi32, #tpu.memory_space<vmem>>
          %dma_wait3A_214 = arith.constant 0 : i32
          %dma_wait3A_215 = arith.constant 0 : i32
          %dma_wait3A_216 = tpu.memref_slice %arg9[%dma_wait3A_214, %dma_wait3A_215] : memref<10240x64xf32, #tpu.memory_space<vmem_shared>> -> memref<10240x64xf32, #tpu.memory_space<vmem_shared>>
          tpu.wait_indirect_dma semaphore(%arg17 : memref<!tpu.dma_semaphore, #tpu.memory_space<semaphore_mem>>) src(%arg13 : memref<128x64xf32, #tpu.memory_space<vmem>>) dst(%dma_wait3A_216 : memref<10240x64xf32, #tpu.memory_space<vmem_shared>>)
        } else {
        }
        %add3A_202 = arith.constant 1 : i32
        %add3A_203 = arith.addi %add3A_173, %add3A_202 : i32
        %dma_start3A_204 = arith.constant 0 : i32
        %dma_start3A_205 = tpu.memref_slice %arg11[%add3A_203, %dma_start3A_204] : memref<80x128xi32, #tpu.memory_space<vmem>> -> memref<1x128xi32, #tpu.memory_space<vmem>>
        %dma_start3A_206 = tpu.memref_squeeze %dma_start3A_205 : memref<1x128xi32, #tpu.memory_space<vmem>> -> memref<128xi32, #tpu.memory_space<vmem>>
        %dma_start3A_207 = arith.constant 0 : i32
        %dma_start3A_208 = arith.constant 0 : i32
        %dma_start3A_209 = tpu.memref_slice %arg10[%dma_start3A_207, %dma_start3A_208] : memref<10240x64xf32, #tpu.memory_space<vmem_shared>> -> memref<10240x64xf32, #tpu.memory_space<vmem_shared>>
        tpu.enqueue_indirect_dma source(%dma_start3A_209 : memref<10240x64xf32, #tpu.memory_space<vmem_shared>>) target(%arg13 : memref<128x64xf32, #tpu.memory_space<vmem>>) offsets(%dma_start3A_206 : memref<128xi32, #tpu.memory_space<vmem>>) semaphore(%arg15 : memref<!tpu.dma_semaphore, #tpu.memory_space<semaphore_mem>>)
      } else {
      }
    }
    %scan3A_126 = arith.constant 40 : i32
    %dma_wait3A_127 = arith.constant 78 : i32
    %dma_wait3A_128 = arith.constant 0 : i32
    %dma_wait3A_129 = tpu.memref_slice %arg12[%dma_wait3A_127, %dma_wait3A_128] : memref<80x128xi32, #tpu.memory_space<vmem>> -> memref<1x128xi32, #tpu.memory_space<vmem>>
    %dma_wait3A_130 = tpu.memref_squeeze %dma_wait3A_129 : memref<1x128xi32, #tpu.memory_space<vmem>> -> memref<128xi32, #tpu.memory_space<vmem>>
    %dma_wait3A_131 = arith.constant 0 : i32
    %dma_wait3A_132 = arith.constant 0 : i32
    %dma_wait3A_133 = tpu.memref_slice %arg9[%dma_wait3A_131, %dma_wait3A_132] : memref<10240x64xf32, #tpu.memory_space<vmem_shared>> -> memref<10240x64xf32, #tpu.memory_space<vmem_shared>>
    tpu.wait_indirect_dma semaphore(%arg17 : memref<!tpu.dma_semaphore, #tpu.memory_space<semaphore_mem>>) src(%arg13 : memref<128x64xf32, #tpu.memory_space<vmem>>) dst(%dma_wait3A_133 : memref<10240x64xf32, #tpu.memory_space<vmem_shared>>)
    %dma_wait3A_134 = arith.constant 79 : i32
    %dma_wait3A_135 = arith.constant 0 : i32
    %dma_wait3A_136 = tpu.memref_slice %arg12[%dma_wait3A_134, %dma_wait3A_135] : memref<80x128xi32, #tpu.memory_space<vmem>> -> memref<1x128xi32, #tpu.memory_space<vmem>>
    %dma_wait3A_137 = tpu.memref_squeeze %dma_wait3A_136 : memref<1x128xi32, #tpu.memory_space<vmem>> -> memref<128xi32, #tpu.memory_space<vmem>>
    %dma_wait3A_138 = arith.constant 0 : i32
    %dma_wait3A_139 = arith.constant 0 : i32
    %dma_wait3A_140 = tpu.memref_slice %arg9[%dma_wait3A_138, %dma_wait3A_139] : memref<10240x64xf32, #tpu.memory_space<vmem_shared>> -> memref<10240x64xf32, #tpu.memory_space<vmem_shared>>
    tpu.wait_indirect_dma semaphore(%arg18 : memref<!tpu.dma_semaphore, #tpu.memory_space<semaphore_mem>>) src(%arg14 : memref<128x64xf32, #tpu.memory_space<vmem>>) dst(%dma_wait3A_140 : memref<10240x64xf32, #tpu.memory_space<vmem_shared>>)
    tpu.wait_dma2 semaphore(%arg22 : memref<!tpu.dma_semaphore, #tpu.memory_space<semaphore_mem>>) src(%arg6 : memref<10240xf32, #tpu.memory_space<hbm>>) dst(%arg20 : memref<10240xf32, #tpu.memory_space<vmem_shared>>)
    %barrier3A_141 = arith.constant 0 : index
    tpu.barrier barrier_id(%barrier3A_141)
    %mul3A_142 = arith.constant 640 : i32
    %mul3A_143 = arith.muli %arg1, %mul3A_142 : i32
    "tpu.region"() ({
      %run_scoped3A = tpu.sem_alloc : memref<!tpu.dma_semaphore, #tpu.memory_space<semaphore_mem>>
      %dma_start3A_144 = arith.constant 0 : i32
      %dma_start3A_145 = tpu.memref_slice %arg7[%arg0, %mul3A_143, %dma_start3A_144] : memref<2x10240x64xf32, #tpu.memory_space<hbm>> -> memref<1x640x64xf32, #tpu.memory_space<hbm>>
      %dma_start3A_146 = tpu.memref_squeeze %dma_start3A_145 : memref<1x640x64xf32, #tpu.memory_space<hbm>> -> memref<640x64xf32, #tpu.memory_space<hbm>>
      %dma_start3A_147 = arith.constant 0 : i32
      %dma_start3A_148 = tpu.memref_slice %arg9[%mul3A_143, %dma_start3A_147] : memref<10240x64xf32, #tpu.memory_space<vmem_shared>> -> memref<640x64xf32, #tpu.memory_space<vmem_shared>>
      tpu.enqueue_dma source(%dma_start3A_148 : memref<640x64xf32, #tpu.memory_space<vmem_shared>>) target(%dma_start3A_146 : memref<640x64xf32, #tpu.memory_space<hbm>>) target_semaphore(%run_scoped3A : memref<!tpu.dma_semaphore, #tpu.memory_space<semaphore_mem>>)
      %dma_wait3A_149 = arith.constant 0 : i32
      %dma_wait3A_150 = tpu.memref_slice %arg7[%arg0, %mul3A_143, %dma_wait3A_149] : memref<2x10240x64xf32, #tpu.memory_space<hbm>> -> memref<1x640x64xf32, #tpu.memory_space<hbm>>
      %dma_wait3A_151 = tpu.memref_squeeze %dma_wait3A_150 : memref<1x640x64xf32, #tpu.memory_space<hbm>> -> memref<640x64xf32, #tpu.memory_space<hbm>>
      %dma_wait3A_152 = arith.constant 0 : i32
      %dma_wait3A_153 = tpu.memref_slice %arg9[%mul3A_143, %dma_wait3A_152] : memref<10240x64xf32, #tpu.memory_space<vmem_shared>> -> memref<640x64xf32, #tpu.memory_space<vmem_shared>>
      tpu.wait_dma2 semaphore(%run_scoped3A : memref<!tpu.dma_semaphore, #tpu.memory_space<semaphore_mem>>) src(%dma_wait3A_153 : memref<640x64xf32, #tpu.memory_space<vmem_shared>>) dst(%dma_wait3A_151 : memref<640x64xf32, #tpu.memory_space<hbm>>)
      tpu.yield
    }) : () -> ()
    "tpu.region"() ({
      %run_scoped3A = tpu.sem_alloc : memref<!tpu.dma_semaphore, #tpu.memory_space<semaphore_mem>>
      %dma_start3A_144 = tpu.memref_slice %arg8[%arg0, %mul3A_143] : memref<2x10240xf32, #tpu.memory_space<hbm>> -> memref<1x640xf32, #tpu.memory_space<hbm>>
      %dma_start3A_145 = tpu.memref_squeeze %dma_start3A_144 : memref<1x640xf32, #tpu.memory_space<hbm>> -> memref<640xf32, #tpu.memory_space<hbm>>
      %dma_start3A_146 = tpu.memref_slice %arg20[%mul3A_143] : memref<10240xf32, #tpu.memory_space<vmem_shared>> -> memref<640xf32, #tpu.memory_space<vmem_shared>>
      tpu.enqueue_dma source(%dma_start3A_146 : memref<640xf32, #tpu.memory_space<vmem_shared>>) target(%dma_start3A_145 : memref<640xf32, #tpu.memory_space<hbm>>) target_semaphore(%run_scoped3A : memref<!tpu.dma_semaphore, #tpu.memory_space<semaphore_mem>>)
      %dma_wait3A_147 = tpu.memref_slice %arg8[%arg0, %mul3A_143] : memref<2x10240xf32, #tpu.memory_space<hbm>> -> memref<1x640xf32, #tpu.memory_space<hbm>>
      %dma_wait3A_148 = tpu.memref_squeeze %dma_wait3A_147 : memref<1x640xf32, #tpu.memory_space<hbm>> -> memref<640xf32, #tpu.memory_space<hbm>>
      %dma_wait3A_149 = tpu.memref_slice %arg20[%mul3A_143] : memref<10240xf32, #tpu.memory_space<vmem_shared>> -> memref<640xf32, #tpu.memory_space<vmem_shared>>
      tpu.wait_dma2 semaphore(%run_scoped3A : memref<!tpu.dma_semaphore, #tpu.memory_space<semaphore_mem>>) src(%dma_wait3A_149 : memref<640xf32, #tpu.memory_space<vmem_shared>>) dst(%dma_wait3A_148 : memref<640xf32, #tpu.memory_space<hbm>>)
      tpu.yield
    }) : () -> ()
    return
  }
}

#map = affine_map<(d0, d1) -> (0, 0)>
#map1 = affine_map<(d0, d1) -> (0, 0, 0)>
module attributes {stable_mosaic.version = 14 : i64} {
  func.func @_sc_body(%arg0: i32, %arg1: i32, %arg2: memref<10000x32xf32, #tpu.memory_space<hbm>>, %arg3: memref<2560x128xi32, #tpu.memory_space<hbm>>, %arg4: memref<2560x128xi32, #tpu.memory_space<hbm>>, %arg5: memref<128x32xf32, #tpu.memory_space<hbm>>, %arg6: memref<2x10240x32xf32, #tpu.memory_space<hbm>>, %arg7: memref<10240x32xf32, #tpu.memory_space<vmem_shared>>, %arg8: memref<10240x32xf32, #tpu.memory_space<vmem_shared>>, %arg9: memref<80x128xi32, #tpu.memory_space<vmem>>, %arg10: memref<80x128xi32, #tpu.memory_space<vmem>>, %arg11: memref<128x32xf32, #tpu.memory_space<vmem>>, %arg12: memref<128x32xf32, #tpu.memory_space<vmem>>, %arg13: memref<!tpu.dma_semaphore, #tpu.memory_space<semaphore_mem>>, %arg14: memref<!tpu.dma_semaphore, #tpu.memory_space<semaphore_mem>>, %arg15: memref<!tpu.dma_semaphore, #tpu.memory_space<semaphore_mem>>, %arg16: memref<!tpu.dma_semaphore, #tpu.memory_space<semaphore_mem>>, %arg17: memref<!tpu.dma_semaphore, #tpu.memory_space<semaphore_mem>>) attributes {dimension_semantics = [#tpu.dimension_semantics<core_parallel>, #tpu.dimension_semantics<subcore_parallel>], iteration_bounds = array<i64: 2, 16>, scalar_prefetch = 0 : i64, scratch_operands = 11 : i64, tpu.core_type = #tpu.core_type<sc_vector_subcore>, window_params = [{transform_indices = #map}, {transform_indices = #map}, {transform_indices = #map}, {transform_indices = #map}, {transform_indices = #map1}]} {
    %mul3A = arith.constant 16 : i32
    %mul3A_0 = arith.muli %arg0, %mul3A : i32
    %add3A = arith.addi %mul3A_0, %arg1 : i32
    %mul3A_1 = arith.constant 640 : i32
    %mul3A_2 = arith.muli %arg1, %mul3A_1 : i32
    %add3A_3 = arith.constant 0 : i32
    %add3A_4 = arith.addi %mul3A_2, %add3A_3 : i32
    %dma_start3A = arith.constant 0 : i32
    %dma_start3A_5 = tpu.memref_slice %arg7[%add3A_4, %dma_start3A] : memref<10240x32xf32, #tpu.memory_space<vmem_shared>> -> memref<128x32xf32, #tpu.memory_space<vmem_shared>>
    tpu.enqueue_dma source(%arg5 : memref<128x32xf32, #tpu.memory_space<hbm>>) target(%dma_start3A_5 : memref<128x32xf32, #tpu.memory_space<vmem_shared>>) target_semaphore(%arg17 : memref<!tpu.dma_semaphore, #tpu.memory_space<semaphore_mem>>)
    %add3A_6 = arith.constant 128 : i32
    %add3A_7 = arith.addi %mul3A_2, %add3A_6 : i32
    %dma_start3A_8 = arith.constant 0 : i32
    %dma_start3A_9 = tpu.memref_slice %arg7[%add3A_7, %dma_start3A_8] : memref<10240x32xf32, #tpu.memory_space<vmem_shared>> -> memref<128x32xf32, #tpu.memory_space<vmem_shared>>
    tpu.enqueue_dma source(%arg5 : memref<128x32xf32, #tpu.memory_space<hbm>>) target(%dma_start3A_9 : memref<128x32xf32, #tpu.memory_space<vmem_shared>>) target_semaphore(%arg17 : memref<!tpu.dma_semaphore, #tpu.memory_space<semaphore_mem>>)
    %add3A_10 = arith.constant 256 : i32
    %add3A_11 = arith.addi %mul3A_2, %add3A_10 : i32
    %dma_start3A_12 = arith.constant 0 : i32
    %dma_start3A_13 = tpu.memref_slice %arg7[%add3A_11, %dma_start3A_12] : memref<10240x32xf32, #tpu.memory_space<vmem_shared>> -> memref<128x32xf32, #tpu.memory_space<vmem_shared>>
    tpu.enqueue_dma source(%arg5 : memref<128x32xf32, #tpu.memory_space<hbm>>) target(%dma_start3A_13 : memref<128x32xf32, #tpu.memory_space<vmem_shared>>) target_semaphore(%arg17 : memref<!tpu.dma_semaphore, #tpu.memory_space<semaphore_mem>>)
    %add3A_14 = arith.constant 384 : i32
    %add3A_15 = arith.addi %mul3A_2, %add3A_14 : i32
    %dma_start3A_16 = arith.constant 0 : i32
    %dma_start3A_17 = tpu.memref_slice %arg7[%add3A_15, %dma_start3A_16] : memref<10240x32xf32, #tpu.memory_space<vmem_shared>> -> memref<128x32xf32, #tpu.memory_space<vmem_shared>>
    tpu.enqueue_dma source(%arg5 : memref<128x32xf32, #tpu.memory_space<hbm>>) target(%dma_start3A_17 : memref<128x32xf32, #tpu.memory_space<vmem_shared>>) target_semaphore(%arg17 : memref<!tpu.dma_semaphore, #tpu.memory_space<semaphore_mem>>)
    %add3A_18 = arith.constant 512 : i32
    %add3A_19 = arith.addi %mul3A_2, %add3A_18 : i32
    %dma_start3A_20 = arith.constant 0 : i32
    %dma_start3A_21 = tpu.memref_slice %arg7[%add3A_19, %dma_start3A_20] : memref<10240x32xf32, #tpu.memory_space<vmem_shared>> -> memref<128x32xf32, #tpu.memory_space<vmem_shared>>
    tpu.enqueue_dma source(%arg5 : memref<128x32xf32, #tpu.memory_space<hbm>>) target(%dma_start3A_21 : memref<128x32xf32, #tpu.memory_space<vmem_shared>>) target_semaphore(%arg17 : memref<!tpu.dma_semaphore, #tpu.memory_space<semaphore_mem>>)
    %mul3A_22 = arith.constant 625 : i32
    %mul3A_23 = arith.muli %arg1, %mul3A_22 : i32
    %mul3A_24 = arith.constant 625 : i32
    %mul3A_25 = arith.muli %arg1, %mul3A_24 : i32
    %dma_start3A_26 = arith.constant 0 : i32
    %dma_start3A_27 = tpu.memref_slice %arg8[%mul3A_25, %dma_start3A_26] : memref<10240x32xf32, #tpu.memory_space<vmem_shared>> -> memref<625x32xf32, #tpu.memory_space<vmem_shared>>
    %dma_start3A_28 = arith.constant 0 : i32
    %dma_start3A_29 = tpu.memref_slice %arg2[%mul3A_23, %dma_start3A_28] : memref<10000x32xf32, #tpu.memory_space<hbm>> -> memref<625x32xf32, #tpu.memory_space<hbm>>
    tpu.enqueue_dma source(%dma_start3A_29 : memref<625x32xf32, #tpu.memory_space<hbm>>) target(%dma_start3A_27 : memref<625x32xf32, #tpu.memory_space<vmem_shared>>) target_semaphore(%arg17 : memref<!tpu.dma_semaphore, #tpu.memory_space<semaphore_mem>>)
    %mul3A_30 = arith.constant 80 : i32
    %mul3A_31 = arith.muli %add3A, %mul3A_30 : i32
    %dma_start3A_32 = arith.constant 0 : i32
    %dma_start3A_33 = tpu.memref_slice %arg3[%mul3A_31, %dma_start3A_32] : memref<2560x128xi32, #tpu.memory_space<hbm>> -> memref<80x128xi32, #tpu.memory_space<hbm>>
    %dma_start3A_34 = arith.constant 0 : i32
    %dma_start3A_35 = tpu.memref_slice %arg3[%mul3A_31, %dma_start3A_34] : memref<2560x128xi32, #tpu.memory_space<hbm>> -> memref<80x128xi32, #tpu.memory_space<hbm>>
    tpu.enqueue_dma source(%dma_start3A_35 : memref<80x128xi32, #tpu.memory_space<hbm>>) target(%arg9 : memref<80x128xi32, #tpu.memory_space<vmem>>) target_semaphore(%arg17 : memref<!tpu.dma_semaphore, #tpu.memory_space<semaphore_mem>>)
    %mul3A_36 = arith.constant 80 : i32
    %mul3A_37 = arith.muli %add3A, %mul3A_36 : i32
    %dma_start3A_38 = arith.constant 0 : i32
    %dma_start3A_39 = tpu.memref_slice %arg4[%mul3A_37, %dma_start3A_38] : memref<2560x128xi32, #tpu.memory_space<hbm>> -> memref<80x128xi32, #tpu.memory_space<hbm>>
    %dma_start3A_40 = arith.constant 0 : i32
    %dma_start3A_41 = tpu.memref_slice %arg4[%mul3A_37, %dma_start3A_40] : memref<2560x128xi32, #tpu.memory_space<hbm>> -> memref<80x128xi32, #tpu.memory_space<hbm>>
    tpu.enqueue_dma source(%dma_start3A_41 : memref<80x128xi32, #tpu.memory_space<hbm>>) target(%arg10 : memref<80x128xi32, #tpu.memory_space<vmem>>) target_semaphore(%arg17 : memref<!tpu.dma_semaphore, #tpu.memory_space<semaphore_mem>>)
    %dma_wait3A = arith.constant 0 : i32
    %dma_wait3A_42 = tpu.memref_slice %arg7[%add3A_4, %dma_wait3A] : memref<10240x32xf32, #tpu.memory_space<vmem_shared>> -> memref<128x32xf32, #tpu.memory_space<vmem_shared>>
    tpu.wait_dma2 semaphore(%arg17 : memref<!tpu.dma_semaphore, #tpu.memory_space<semaphore_mem>>) src(%arg5 : memref<128x32xf32, #tpu.memory_space<hbm>>) dst(%dma_wait3A_42 : memref<128x32xf32, #tpu.memory_space<vmem_shared>>)
    %dma_wait3A_43 = arith.constant 0 : i32
    %dma_wait3A_44 = tpu.memref_slice %arg7[%add3A_7, %dma_wait3A_43] : memref<10240x32xf32, #tpu.memory_space<vmem_shared>> -> memref<128x32xf32, #tpu.memory_space<vmem_shared>>
    tpu.wait_dma2 semaphore(%arg17 : memref<!tpu.dma_semaphore, #tpu.memory_space<semaphore_mem>>) src(%arg5 : memref<128x32xf32, #tpu.memory_space<hbm>>) dst(%dma_wait3A_44 : memref<128x32xf32, #tpu.memory_space<vmem_shared>>)
    %dma_wait3A_45 = arith.constant 0 : i32
    %dma_wait3A_46 = tpu.memref_slice %arg7[%add3A_11, %dma_wait3A_45] : memref<10240x32xf32, #tpu.memory_space<vmem_shared>> -> memref<128x32xf32, #tpu.memory_space<vmem_shared>>
    tpu.wait_dma2 semaphore(%arg17 : memref<!tpu.dma_semaphore, #tpu.memory_space<semaphore_mem>>) src(%arg5 : memref<128x32xf32, #tpu.memory_space<hbm>>) dst(%dma_wait3A_46 : memref<128x32xf32, #tpu.memory_space<vmem_shared>>)
    %dma_wait3A_47 = arith.constant 0 : i32
    %dma_wait3A_48 = tpu.memref_slice %arg7[%add3A_15, %dma_wait3A_47] : memref<10240x32xf32, #tpu.memory_space<vmem_shared>> -> memref<128x32xf32, #tpu.memory_space<vmem_shared>>
    tpu.wait_dma2 semaphore(%arg17 : memref<!tpu.dma_semaphore, #tpu.memory_space<semaphore_mem>>) src(%arg5 : memref<128x32xf32, #tpu.memory_space<hbm>>) dst(%dma_wait3A_48 : memref<128x32xf32, #tpu.memory_space<vmem_shared>>)
    %dma_wait3A_49 = arith.constant 0 : i32
    %dma_wait3A_50 = tpu.memref_slice %arg7[%add3A_19, %dma_wait3A_49] : memref<10240x32xf32, #tpu.memory_space<vmem_shared>> -> memref<128x32xf32, #tpu.memory_space<vmem_shared>>
    tpu.wait_dma2 semaphore(%arg17 : memref<!tpu.dma_semaphore, #tpu.memory_space<semaphore_mem>>) src(%arg5 : memref<128x32xf32, #tpu.memory_space<hbm>>) dst(%dma_wait3A_50 : memref<128x32xf32, #tpu.memory_space<vmem_shared>>)
    %dma_wait3A_51 = arith.constant 0 : i32
    %dma_wait3A_52 = tpu.memref_slice %arg8[%mul3A_25, %dma_wait3A_51] : memref<10240x32xf32, #tpu.memory_space<vmem_shared>> -> memref<625x32xf32, #tpu.memory_space<vmem_shared>>
    %dma_wait3A_53 = arith.constant 0 : i32
    %dma_wait3A_54 = tpu.memref_slice %arg2[%mul3A_23, %dma_wait3A_53] : memref<10000x32xf32, #tpu.memory_space<hbm>> -> memref<625x32xf32, #tpu.memory_space<hbm>>
    tpu.wait_dma2 semaphore(%arg17 : memref<!tpu.dma_semaphore, #tpu.memory_space<semaphore_mem>>) src(%dma_wait3A_54 : memref<625x32xf32, #tpu.memory_space<hbm>>) dst(%dma_wait3A_52 : memref<625x32xf32, #tpu.memory_space<vmem_shared>>)
    %dma_wait3A_55 = arith.constant 0 : i32
    %dma_wait3A_56 = tpu.memref_slice %arg3[%mul3A_31, %dma_wait3A_55] : memref<2560x128xi32, #tpu.memory_space<hbm>> -> memref<80x128xi32, #tpu.memory_space<hbm>>
    %dma_wait3A_57 = arith.constant 0 : i32
    %dma_wait3A_58 = tpu.memref_slice %arg3[%mul3A_31, %dma_wait3A_57] : memref<2560x128xi32, #tpu.memory_space<hbm>> -> memref<80x128xi32, #tpu.memory_space<hbm>>
    tpu.wait_dma2 semaphore(%arg17 : memref<!tpu.dma_semaphore, #tpu.memory_space<semaphore_mem>>) src(%dma_wait3A_58 : memref<80x128xi32, #tpu.memory_space<hbm>>) dst(%arg9 : memref<80x128xi32, #tpu.memory_space<vmem>>)
    %dma_wait3A_59 = arith.constant 0 : i32
    %dma_wait3A_60 = tpu.memref_slice %arg4[%mul3A_37, %dma_wait3A_59] : memref<2560x128xi32, #tpu.memory_space<hbm>> -> memref<80x128xi32, #tpu.memory_space<hbm>>
    %dma_wait3A_61 = arith.constant 0 : i32
    %dma_wait3A_62 = tpu.memref_slice %arg4[%mul3A_37, %dma_wait3A_61] : memref<2560x128xi32, #tpu.memory_space<hbm>> -> memref<80x128xi32, #tpu.memory_space<hbm>>
    tpu.wait_dma2 semaphore(%arg17 : memref<!tpu.dma_semaphore, #tpu.memory_space<semaphore_mem>>) src(%dma_wait3A_62 : memref<80x128xi32, #tpu.memory_space<hbm>>) dst(%arg10 : memref<80x128xi32, #tpu.memory_space<vmem>>)
    %barrier3A = arith.constant 0 : index
    tpu.barrier barrier_id(%barrier3A)
    %dma_start3A_63 = arith.constant 0 : i32
    %dma_start3A_64 = arith.constant 0 : i32
    %dma_start3A_65 = tpu.memref_slice %arg9[%dma_start3A_63, %dma_start3A_64] : memref<80x128xi32, #tpu.memory_space<vmem>> -> memref<1x128xi32, #tpu.memory_space<vmem>>
    %dma_start3A_66 = tpu.memref_squeeze %dma_start3A_65 : memref<1x128xi32, #tpu.memory_space<vmem>> -> memref<128xi32, #tpu.memory_space<vmem>>
    %dma_start3A_67 = arith.constant 0 : i32
    %dma_start3A_68 = arith.constant 0 : i32
    %dma_start3A_69 = tpu.memref_slice %arg8[%dma_start3A_67, %dma_start3A_68] : memref<10240x32xf32, #tpu.memory_space<vmem_shared>> -> memref<10240x32xf32, #tpu.memory_space<vmem_shared>>
    tpu.enqueue_indirect_dma source(%dma_start3A_69 : memref<10240x32xf32, #tpu.memory_space<vmem_shared>>) target(%arg11 : memref<128x32xf32, #tpu.memory_space<vmem>>) offsets(%dma_start3A_66 : memref<128xi32, #tpu.memory_space<vmem>>) semaphore(%arg13 : memref<!tpu.dma_semaphore, #tpu.memory_space<semaphore_mem>>)
    %scan3A = arith.constant 0 : i32
    %scan3A_70 = arith.constant 0 : i32
    %scan3A_71 = arith.constant 40 : i32
    %scan3A_72 = arith.addi %scan3A_70, %scan3A_71 : i32
    %scan3A_73 = arith.constant 1 : i32
    scf.for %scan3A_92 = %scan3A_70 to %scan3A_72 step %scan3A_73  : i32 {
      %mul3A_93 = arith.constant 2 : i32
      %mul3A_94 = arith.muli %scan3A_92, %mul3A_93 : i32
      %add3A_95 = arith.constant 0 : i32
      %add3A_96 = arith.addi %mul3A_94, %add3A_95 : i32
      %dma_wait3A_97 = arith.constant 0 : i32
      %dma_wait3A_98 = tpu.memref_slice %arg9[%add3A_96, %dma_wait3A_97] : memref<80x128xi32, #tpu.memory_space<vmem>> -> memref<1x128xi32, #tpu.memory_space<vmem>>
      %dma_wait3A_99 = tpu.memref_squeeze %dma_wait3A_98 : memref<1x128xi32, #tpu.memory_space<vmem>> -> memref<128xi32, #tpu.memory_space<vmem>>
      %dma_wait3A_100 = arith.constant 0 : i32
      %dma_wait3A_101 = arith.constant 0 : i32
      %dma_wait3A_102 = tpu.memref_slice %arg8[%dma_wait3A_100, %dma_wait3A_101] : memref<10240x32xf32, #tpu.memory_space<vmem_shared>> -> memref<10240x32xf32, #tpu.memory_space<vmem_shared>>
      tpu.wait_indirect_dma semaphore(%arg13 : memref<!tpu.dma_semaphore, #tpu.memory_space<semaphore_mem>>) src(%dma_wait3A_102 : memref<10240x32xf32, #tpu.memory_space<vmem_shared>>) dst(%arg11 : memref<128x32xf32, #tpu.memory_space<vmem>>)
      %dma_start3A_103 = arith.constant 0 : i32
      %dma_start3A_104 = tpu.memref_slice %arg10[%add3A_96, %dma_start3A_103] : memref<80x128xi32, #tpu.memory_space<vmem>> -> memref<1x128xi32, #tpu.memory_space<vmem>>
      %dma_start3A_105 = tpu.memref_squeeze %dma_start3A_104 : memref<1x128xi32, #tpu.memory_space<vmem>> -> memref<128xi32, #tpu.memory_space<vmem>>
      %dma_start3A_106 = arith.constant 0 : i32
      %dma_start3A_107 = arith.constant 0 : i32
      %dma_start3A_108 = tpu.memref_slice %arg7[%dma_start3A_106, %dma_start3A_107] : memref<10240x32xf32, #tpu.memory_space<vmem_shared>> -> memref<10240x32xf32, #tpu.memory_space<vmem_shared>>
      tpu.enqueue_indirect_dma source(%arg11 : memref<128x32xf32, #tpu.memory_space<vmem>>) target(%dma_start3A_108 : memref<10240x32xf32, #tpu.memory_space<vmem_shared>>) offsets(%dma_start3A_105 : memref<128xi32, #tpu.memory_space<vmem>>) semaphore(%arg15 : memref<!tpu.dma_semaphore, #tpu.memory_space<semaphore_mem>>) {add = true}
      %add3A_109 = arith.constant 1 : i32
      %add3A_110 = arith.addi %add3A_96, %add3A_109 : i32
      %lt3A = arith.constant 80 : i32
      %lt3A_111 = arith.cmpi slt, %add3A_110, %lt3A : i32
      %convert_element_type3A = arith.extui %lt3A_111 : i1 to i32
      %cond3A = arith.constant 0 : i32
      %cond3A_112 = arith.cmpi ne, %convert_element_type3A, %cond3A : i32
      scf.if %cond3A_112 {
        %ge3A = arith.constant 1 : i32
        %ge3A_136 = arith.cmpi sge, %add3A_96, %ge3A : i32
        %convert_element_type3A_137 = arith.extui %ge3A_136 : i1 to i32
        %cond3A_138 = arith.constant 0 : i32
        %cond3A_139 = arith.cmpi ne, %convert_element_type3A_137, %cond3A_138 : i32
        scf.if %cond3A_139 {
          %sub3A = arith.constant 1 : i32
          %sub3A_148 = arith.subi %add3A_96, %sub3A : i32
          %dma_wait3A_149 = arith.constant 0 : i32
          %dma_wait3A_150 = tpu.memref_slice %arg10[%sub3A_148, %dma_wait3A_149] : memref<80x128xi32, #tpu.memory_space<vmem>> -> memref<1x128xi32, #tpu.memory_space<vmem>>
          %dma_wait3A_151 = tpu.memref_squeeze %dma_wait3A_150 : memref<1x128xi32, #tpu.memory_space<vmem>> -> memref<128xi32, #tpu.memory_space<vmem>>
          %dma_wait3A_152 = arith.constant 0 : i32
          %dma_wait3A_153 = arith.constant 0 : i32
          %dma_wait3A_154 = tpu.memref_slice %arg7[%dma_wait3A_152, %dma_wait3A_153] : memref<10240x32xf32, #tpu.memory_space<vmem_shared>> -> memref<10240x32xf32, #tpu.memory_space<vmem_shared>>
          tpu.wait_indirect_dma semaphore(%arg16 : memref<!tpu.dma_semaphore, #tpu.memory_space<semaphore_mem>>) src(%arg12 : memref<128x32xf32, #tpu.memory_space<vmem>>) dst(%dma_wait3A_154 : memref<10240x32xf32, #tpu.memory_space<vmem_shared>>)
        } else {
        }
        %add3A_140 = arith.constant 1 : i32
        %add3A_141 = arith.addi %add3A_96, %add3A_140 : i32
        %dma_start3A_142 = arith.constant 0 : i32
        %dma_start3A_143 = tpu.memref_slice %arg9[%add3A_141, %dma_start3A_142] : memref<80x128xi32, #tpu.memory_space<vmem>> -> memref<1x128xi32, #tpu.memory_space<vmem>>
        %dma_start3A_144 = tpu.memref_squeeze %dma_start3A_143 : memref<1x128xi32, #tpu.memory_space<vmem>> -> memref<128xi32, #tpu.memory_space<vmem>>
        %dma_start3A_145 = arith.constant 0 : i32
        %dma_start3A_146 = arith.constant 0 : i32
        %dma_start3A_147 = tpu.memref_slice %arg8[%dma_start3A_145, %dma_start3A_146] : memref<10240x32xf32, #tpu.memory_space<vmem_shared>> -> memref<10240x32xf32, #tpu.memory_space<vmem_shared>>
        tpu.enqueue_indirect_dma source(%dma_start3A_147 : memref<10240x32xf32, #tpu.memory_space<vmem_shared>>) target(%arg12 : memref<128x32xf32, #tpu.memory_space<vmem>>) offsets(%dma_start3A_144 : memref<128xi32, #tpu.memory_space<vmem>>) semaphore(%arg14 : memref<!tpu.dma_semaphore, #tpu.memory_space<semaphore_mem>>)
      } else {
      }
      %mul3A_113 = arith.constant 2 : i32
      %mul3A_114 = arith.muli %scan3A_92, %mul3A_113 : i32
      %add3A_115 = arith.constant 1 : i32
      %add3A_116 = arith.addi %mul3A_114, %add3A_115 : i32
      %dma_wait3A_117 = arith.constant 0 : i32
      %dma_wait3A_118 = tpu.memref_slice %arg9[%add3A_116, %dma_wait3A_117] : memref<80x128xi32, #tpu.memory_space<vmem>> -> memref<1x128xi32, #tpu.memory_space<vmem>>
      %dma_wait3A_119 = tpu.memref_squeeze %dma_wait3A_118 : memref<1x128xi32, #tpu.memory_space<vmem>> -> memref<128xi32, #tpu.memory_space<vmem>>
      %dma_wait3A_120 = arith.constant 0 : i32
      %dma_wait3A_121 = arith.constant 0 : i32
      %dma_wait3A_122 = tpu.memref_slice %arg8[%dma_wait3A_120, %dma_wait3A_121] : memref<10240x32xf32, #tpu.memory_space<vmem_shared>> -> memref<10240x32xf32, #tpu.memory_space<vmem_shared>>
      tpu.wait_indirect_dma semaphore(%arg14 : memref<!tpu.dma_semaphore, #tpu.memory_space<semaphore_mem>>) src(%dma_wait3A_122 : memref<10240x32xf32, #tpu.memory_space<vmem_shared>>) dst(%arg12 : memref<128x32xf32, #tpu.memory_space<vmem>>)
      %dma_start3A_123 = arith.constant 0 : i32
      %dma_start3A_124 = tpu.memref_slice %arg10[%add3A_116, %dma_start3A_123] : memref<80x128xi32, #tpu.memory_space<vmem>> -> memref<1x128xi32, #tpu.memory_space<vmem>>
      %dma_start3A_125 = tpu.memref_squeeze %dma_start3A_124 : memref<1x128xi32, #tpu.memory_space<vmem>> -> memref<128xi32, #tpu.memory_space<vmem>>
      %dma_start3A_126 = arith.constant 0 : i32
      %dma_start3A_127 = arith.constant 0 : i32
      %dma_start3A_128 = tpu.memref_slice %arg7[%dma_start3A_126, %dma_start3A_127] : memref<10240x32xf32, #tpu.memory_space<vmem_shared>> -> memref<10240x32xf32, #tpu.memory_space<vmem_shared>>
      tpu.enqueue_indirect_dma source(%arg12 : memref<128x32xf32, #tpu.memory_space<vmem>>) target(%dma_start3A_128 : memref<10240x32xf32, #tpu.memory_space<vmem_shared>>) offsets(%dma_start3A_125 : memref<128xi32, #tpu.memory_space<vmem>>) semaphore(%arg16 : memref<!tpu.dma_semaphore, #tpu.memory_space<semaphore_mem>>) {add = true}
      %add3A_129 = arith.constant 1 : i32
      %add3A_130 = arith.addi %add3A_116, %add3A_129 : i32
      %lt3A_131 = arith.constant 80 : i32
      %lt3A_132 = arith.cmpi slt, %add3A_130, %lt3A_131 : i32
      %convert_element_type3A_133 = arith.extui %lt3A_132 : i1 to i32
      %cond3A_134 = arith.constant 0 : i32
      %cond3A_135 = arith.cmpi ne, %convert_element_type3A_133, %cond3A_134 : i32
      scf.if %cond3A_135 {
        %ge3A = arith.constant 1 : i32
        %ge3A_136 = arith.cmpi sge, %add3A_116, %ge3A : i32
        %convert_element_type3A_137 = arith.extui %ge3A_136 : i1 to i32
        %cond3A_138 = arith.constant 0 : i32
        %cond3A_139 = arith.cmpi ne, %convert_element_type3A_137, %cond3A_138 : i32
        scf.if %cond3A_139 {
          %sub3A = arith.constant 1 : i32
          %sub3A_148 = arith.subi %add3A_116, %sub3A : i32
          %dma_wait3A_149 = arith.constant 0 : i32
          %dma_wait3A_150 = tpu.memref_slice %arg10[%sub3A_148, %dma_wait3A_149] : memref<80x128xi32, #tpu.memory_space<vmem>> -> memref<1x128xi32, #tpu.memory_space<vmem>>
          %dma_wait3A_151 = tpu.memref_squeeze %dma_wait3A_150 : memref<1x128xi32, #tpu.memory_space<vmem>> -> memref<128xi32, #tpu.memory_space<vmem>>
          %dma_wait3A_152 = arith.constant 0 : i32
          %dma_wait3A_153 = arith.constant 0 : i32
          %dma_wait3A_154 = tpu.memref_slice %arg7[%dma_wait3A_152, %dma_wait3A_153] : memref<10240x32xf32, #tpu.memory_space<vmem_shared>> -> memref<10240x32xf32, #tpu.memory_space<vmem_shared>>
          tpu.wait_indirect_dma semaphore(%arg15 : memref<!tpu.dma_semaphore, #tpu.memory_space<semaphore_mem>>) src(%arg11 : memref<128x32xf32, #tpu.memory_space<vmem>>) dst(%dma_wait3A_154 : memref<10240x32xf32, #tpu.memory_space<vmem_shared>>)
        } else {
        }
        %add3A_140 = arith.constant 1 : i32
        %add3A_141 = arith.addi %add3A_116, %add3A_140 : i32
        %dma_start3A_142 = arith.constant 0 : i32
        %dma_start3A_143 = tpu.memref_slice %arg9[%add3A_141, %dma_start3A_142] : memref<80x128xi32, #tpu.memory_space<vmem>> -> memref<1x128xi32, #tpu.memory_space<vmem>>
        %dma_start3A_144 = tpu.memref_squeeze %dma_start3A_143 : memref<1x128xi32, #tpu.memory_space<vmem>> -> memref<128xi32, #tpu.memory_space<vmem>>
        %dma_start3A_145 = arith.constant 0 : i32
        %dma_start3A_146 = arith.constant 0 : i32
        %dma_start3A_147 = tpu.memref_slice %arg8[%dma_start3A_145, %dma_start3A_146] : memref<10240x32xf32, #tpu.memory_space<vmem_shared>> -> memref<10240x32xf32, #tpu.memory_space<vmem_shared>>
        tpu.enqueue_indirect_dma source(%dma_start3A_147 : memref<10240x32xf32, #tpu.memory_space<vmem_shared>>) target(%arg11 : memref<128x32xf32, #tpu.memory_space<vmem>>) offsets(%dma_start3A_144 : memref<128xi32, #tpu.memory_space<vmem>>) semaphore(%arg13 : memref<!tpu.dma_semaphore, #tpu.memory_space<semaphore_mem>>)
      } else {
      }
    }
    %scan3A_74 = arith.constant 40 : i32
    %dma_wait3A_75 = arith.constant 78 : i32
    %dma_wait3A_76 = arith.constant 0 : i32
    %dma_wait3A_77 = tpu.memref_slice %arg10[%dma_wait3A_75, %dma_wait3A_76] : memref<80x128xi32, #tpu.memory_space<vmem>> -> memref<1x128xi32, #tpu.memory_space<vmem>>
    %dma_wait3A_78 = tpu.memref_squeeze %dma_wait3A_77 : memref<1x128xi32, #tpu.memory_space<vmem>> -> memref<128xi32, #tpu.memory_space<vmem>>
    %dma_wait3A_79 = arith.constant 0 : i32
    %dma_wait3A_80 = arith.constant 0 : i32
    %dma_wait3A_81 = tpu.memref_slice %arg7[%dma_wait3A_79, %dma_wait3A_80] : memref<10240x32xf32, #tpu.memory_space<vmem_shared>> -> memref<10240x32xf32, #tpu.memory_space<vmem_shared>>
    tpu.wait_indirect_dma semaphore(%arg15 : memref<!tpu.dma_semaphore, #tpu.memory_space<semaphore_mem>>) src(%arg11 : memref<128x32xf32, #tpu.memory_space<vmem>>) dst(%dma_wait3A_81 : memref<10240x32xf32, #tpu.memory_space<vmem_shared>>)
    %dma_wait3A_82 = arith.constant 79 : i32
    %dma_wait3A_83 = arith.constant 0 : i32
    %dma_wait3A_84 = tpu.memref_slice %arg10[%dma_wait3A_82, %dma_wait3A_83] : memref<80x128xi32, #tpu.memory_space<vmem>> -> memref<1x128xi32, #tpu.memory_space<vmem>>
    %dma_wait3A_85 = tpu.memref_squeeze %dma_wait3A_84 : memref<1x128xi32, #tpu.memory_space<vmem>> -> memref<128xi32, #tpu.memory_space<vmem>>
    %dma_wait3A_86 = arith.constant 0 : i32
    %dma_wait3A_87 = arith.constant 0 : i32
    %dma_wait3A_88 = tpu.memref_slice %arg7[%dma_wait3A_86, %dma_wait3A_87] : memref<10240x32xf32, #tpu.memory_space<vmem_shared>> -> memref<10240x32xf32, #tpu.memory_space<vmem_shared>>
    tpu.wait_indirect_dma semaphore(%arg16 : memref<!tpu.dma_semaphore, #tpu.memory_space<semaphore_mem>>) src(%arg12 : memref<128x32xf32, #tpu.memory_space<vmem>>) dst(%dma_wait3A_88 : memref<10240x32xf32, #tpu.memory_space<vmem_shared>>)
    %barrier3A_89 = arith.constant 0 : index
    tpu.barrier barrier_id(%barrier3A_89)
    %mul3A_90 = arith.constant 640 : i32
    %mul3A_91 = arith.muli %arg1, %mul3A_90 : i32
    "tpu.region"() ({
      %run_scoped3A = tpu.sem_alloc : memref<!tpu.dma_semaphore, #tpu.memory_space<semaphore_mem>>
      %dma_start3A_92 = arith.constant 0 : i32
      %dma_start3A_93 = tpu.memref_slice %arg6[%arg0, %mul3A_91, %dma_start3A_92] : memref<2x10240x32xf32, #tpu.memory_space<hbm>> -> memref<1x640x32xf32, #tpu.memory_space<hbm>>
      %dma_start3A_94 = tpu.memref_squeeze %dma_start3A_93 : memref<1x640x32xf32, #tpu.memory_space<hbm>> -> memref<640x32xf32, #tpu.memory_space<hbm>>
      %dma_start3A_95 = arith.constant 0 : i32
      %dma_start3A_96 = tpu.memref_slice %arg7[%mul3A_91, %dma_start3A_95] : memref<10240x32xf32, #tpu.memory_space<vmem_shared>> -> memref<640x32xf32, #tpu.memory_space<vmem_shared>>
      tpu.enqueue_dma source(%dma_start3A_96 : memref<640x32xf32, #tpu.memory_space<vmem_shared>>) target(%dma_start3A_94 : memref<640x32xf32, #tpu.memory_space<hbm>>) target_semaphore(%run_scoped3A : memref<!tpu.dma_semaphore, #tpu.memory_space<semaphore_mem>>)
      %dma_wait3A_97 = arith.constant 0 : i32
      %dma_wait3A_98 = tpu.memref_slice %arg6[%arg0, %mul3A_91, %dma_wait3A_97] : memref<2x10240x32xf32, #tpu.memory_space<hbm>> -> memref<1x640x32xf32, #tpu.memory_space<hbm>>
      %dma_wait3A_99 = tpu.memref_squeeze %dma_wait3A_98 : memref<1x640x32xf32, #tpu.memory_space<hbm>> -> memref<640x32xf32, #tpu.memory_space<hbm>>
      %dma_wait3A_100 = arith.constant 0 : i32
      %dma_wait3A_101 = tpu.memref_slice %arg7[%mul3A_91, %dma_wait3A_100] : memref<10240x32xf32, #tpu.memory_space<vmem_shared>> -> memref<640x32xf32, #tpu.memory_space<vmem_shared>>
      tpu.wait_dma2 semaphore(%run_scoped3A : memref<!tpu.dma_semaphore, #tpu.memory_space<semaphore_mem>>) src(%dma_wait3A_101 : memref<640x32xf32, #tpu.memory_space<vmem_shared>>) dst(%dma_wait3A_99 : memref<640x32xf32, #tpu.memory_space<hbm>>)
      tpu.yield
    }) : () -> ()
    return
  }
}

module attributes {stable_mosaic.version = 14 : i64} {
  func.func @_tc_pre_body(%arg0: i32, %arg1: memref<1000x128xf32, #tpu.memory_space<vmem>>, %arg2: memref<64x128xf32, #tpu.memory_space<vmem>>, %arg3: memref<64x128xf32, #tpu.memory_space<vmem>>, %arg4: memref<64xf32, #tpu.memory_space<vmem>>, %arg5: memref<1000x64xf32, #tpu.memory_space<vmem>>, %arg6: memref<1000x64xf32, #tpu.memory_space<vmem>>) attributes {dimension_semantics = [#tpu.dimension_semantics<arbitrary>], iteration_bounds = array<i64: 10>, scalar_prefetch = 0 : i64, scratch_operands = 0 : i64, tpu.core_type = #tpu.core_type<tc>, window_params = [{transform_indices = @transform_0, window_bounds = array<i64: 1000, 128>}, {pipeline_mode = #tpu.pipeline_mode<synchronous>, transform_indices = @transform_1, window_bounds = array<i64: 64, 128>}, {pipeline_mode = #tpu.pipeline_mode<synchronous>, transform_indices = @transform_2, window_bounds = array<i64: 64, 128>}, {pipeline_mode = #tpu.pipeline_mode<synchronous>, transform_indices = @transform_3, window_bounds = array<i64: 64>}, {transform_indices = @transform_4, window_bounds = array<i64: 1000, 64>}, {transform_indices = @transform_5, window_bounds = array<i64: 1000, 64>}]} {
    %get3A = arith.constant 0 : index
    %get3A_0 = arith.constant 0 : index
    %get3A_1 = vector.load %arg1[%get3A, %get3A_0] : memref<1000x128xf32, #tpu.memory_space<vmem>>, vector<1000x128xf32>
    %get3A_2 = arith.constant 0 : index
    %get3A_3 = arith.constant 0 : index
    %get3A_4 = vector.load %arg2[%get3A_2, %get3A_3] : memref<64x128xf32, #tpu.memory_space<vmem>>, vector<64x128xf32>
    %dot_general3A = arith.constant dense<0.000000e+00> : vector<1000x64xf32>
    %dot_general3A_5 = tpu.matmul %get3A_1, %get3A_4, %dot_general3A {dimension_numbers = #tpu.dot_dimension_numbers<[1], [1], [0], [0], [0, 0, 1, 0], [], []>, transpose_lhs_hint = false} : vector<1000x128xf32>, vector<64x128xf32>, vector<1000x64xf32> -> vector<1000x64xf32>
    %swap3A = arith.constant 0 : index
    %swap3A_6 = arith.constant 0 : index
    %swap3A_7 = vector.load %arg5[%swap3A, %swap3A_6] : memref<1000x64xf32, #tpu.memory_space<vmem>>, vector<1000x64xf32>
    tpu.vector_store %arg5[%swap3A, %swap3A_6], %dot_general3A_5 {strides = array<i32>} : memref<1000x64xf32, #tpu.memory_space<vmem>>, vector<1000x64xf32>,
    %get3A_8 = arith.constant 0 : index
    %get3A_9 = arith.constant 0 : index
    %get3A_10 = vector.load %arg3[%get3A_8, %get3A_9] : memref<64x128xf32, #tpu.memory_space<vmem>>, vector<64x128xf32>
    %dot_general3A_11 = arith.constant dense<0.000000e+00> : vector<1000x64xf32>
    %dot_general3A_12 = tpu.matmul %get3A_1, %get3A_10, %dot_general3A_11 {dimension_numbers = #tpu.dot_dimension_numbers<[1], [1], [0], [0], [0, 0, 1, 0], [], []>, transpose_lhs_hint = false} : vector<1000x128xf32>, vector<64x128xf32>, vector<1000x64xf32> -> vector<1000x64xf32>
    %get3A_13 = arith.constant 0 : index
    %get3A_14 = vector.load %arg4[%get3A_13] : memref<64xf32, #tpu.memory_space<vmem>>, vector<64xf32>
    %broadcast_in_dim3A = vector.shape_cast %get3A_14 : vector<64xf32> to vector<1x64xf32>
    %add3A = vector.broadcast %broadcast_in_dim3A : vector<1x64xf32> to vector<1000x64xf32>
    %add3A_15 = arith.addf %dot_general3A_12, %add3A : vector<1000x64xf32>
    %swap3A_16 = arith.constant 0 : index
    %swap3A_17 = arith.constant 0 : index
    %swap3A_18 = vector.load %arg6[%swap3A_16, %swap3A_17] : memref<1000x64xf32, #tpu.memory_space<vmem>>, vector<1000x64xf32>
    tpu.vector_store %arg6[%swap3A_16, %swap3A_17], %add3A_15 {strides = array<i32>} : memref<1000x64xf32, #tpu.memory_space<vmem>>, vector<1000x64xf32>,
    return
  }
  func.func @transform_0(%arg0: i32) -> (i32, i32) {
    %c0_i32 = arith.constant 0 : i32
    %c0_i32_0 = arith.constant 0 : i32
    return %arg0, %c0_i32 : i32, i32
  }
  func.func @transform_1(%arg0: i32) -> (i32, i32) {
    %c0_i32 = arith.constant 0 : i32
    %c0_i32_0 = arith.constant 0 : i32
    %c0_i32_1 = arith.constant 0 : i32
    return %c0_i32, %c0_i32_0 : i32, i32
  }
  func.func @transform_2(%arg0: i32) -> (i32, i32) {
    %c0_i32 = arith.constant 0 : i32
    %c0_i32_0 = arith.constant 0 : i32
    %c0_i32_1 = arith.constant 0 : i32
    return %c0_i32, %c0_i32_0 : i32, i32
  }
  func.func @transform_3(%arg0: i32) -> i32 {
    %c0_i32 = arith.constant 0 : i32
    %c0_i32_0 = arith.constant 0 : i32
    return %c0_i32 : i32
  }
  func.func @transform_4(%arg0: i32) -> (i32, i32) {
    %c0_i32 = arith.constant 0 : i32
    %c0_i32_0 = arith.constant 0 : i32
    return %arg0, %c0_i32 : i32, i32
  }
  func.func @transform_5(%arg0: i32) -> (i32, i32) {
    %c0_i32 = arith.constant 0 : i32
    %c0_i32_0 = arith.constant 0 : i32
    return %arg0, %c0_i32 : i32, i32
  }
}

module attributes {stable_mosaic.version = 14 : i64} {
  func.func @_tc_mid_body(%arg0: i32, %arg1: memref<1000x64xf32, #tpu.memory_space<vmem>>, %arg2: memref<1000x64xf32, #tpu.memory_space<vmem>>, %arg3: memref<1000x1xf32, #tpu.memory_space<vmem>>, %arg4: memref<1000x1xf32, #tpu.memory_space<vmem>>, %arg5: memref<1000x64xf32, #tpu.memory_space<vmem>>, %arg6: memref<32x64xf32, #tpu.memory_space<vmem>>, %arg7: memref<32x64xf32, #tpu.memory_space<vmem>>, %arg8: memref<32xf32, #tpu.memory_space<vmem>>, %arg9: memref<1000x32xf32, #tpu.memory_space<vmem>>, %arg10: memref<1000x32xf32, #tpu.memory_space<vmem>>) attributes {dimension_semantics = [#tpu.dimension_semantics<arbitrary>], iteration_bounds = array<i64: 10>, scalar_prefetch = 0 : i64, scratch_operands = 0 : i64, tpu.core_type = #tpu.core_type<tc>, window_params = [{transform_indices = @transform_0, window_bounds = array<i64: 1000, 64>}, {transform_indices = @transform_1, window_bounds = array<i64: 1000, 64>}, {transform_indices = @transform_2, window_bounds = array<i64: 1000, 1>}, {transform_indices = @transform_3, window_bounds = array<i64: 1000, 1>}, {transform_indices = @transform_4, window_bounds = array<i64: 1000, 64>}, {pipeline_mode = #tpu.pipeline_mode<synchronous>, transform_indices = @transform_5, window_bounds = array<i64: 32, 64>}, {pipeline_mode = #tpu.pipeline_mode<synchronous>, transform_indices = @transform_6, window_bounds = array<i64: 32, 64>}, {pipeline_mode = #tpu.pipeline_mode<synchronous>, transform_indices = @transform_7, window_bounds = array<i64: 32>}, {transform_indices = @transform_8, window_bounds = array<i64: 1000, 32>}, {transform_indices = @transform_9, window_bounds = array<i64: 1000, 32>}]} {
    %get3A = arith.constant 0 : index
    %get3A_0 = arith.constant 0 : index
    %get3A_1 = vector.load %arg3[%get3A, %get3A_0] : memref<1000x1xf32, #tpu.memory_space<vmem>>, vector<1000x1xf32>
    %get3A_2 = arith.constant 0 : index
    %get3A_3 = arith.constant 0 : index
    %get3A_4 = vector.load %arg4[%get3A_2, %get3A_3] : memref<1000x1xf32, #tpu.memory_space<vmem>>, vector<1000x1xf32>
    %add3A = arith.addf %get3A_1, %get3A_4 : vector<1000x1xf32>
    %max3A = arith.constant 1.000000e+00 : f32
    %max3A_5 = vector.broadcast %max3A : f32 to vector<1000x1xf32>
    %max3A_6 = arith.maximumf %add3A, %max3A_5 : vector<1000x1xf32>
    %div3A = arith.constant 1.000000e+00 : f32
    %div3A_7 = vector.broadcast %div3A : f32 to vector<1000x1xf32>
    %div3A_8 = arith.divf %div3A_7, %max3A_6 : vector<1000x1xf32>
    %get3A_9 = arith.constant 0 : index
    %get3A_10 = arith.constant 0 : index
    %get3A_11 = vector.load %arg1[%get3A_9, %get3A_10] : memref<1000x64xf32, #tpu.memory_space<vmem>>, vector<1000x64xf32>
    %get3A_12 = arith.constant 0 : index
    %get3A_13 = arith.constant 0 : index
    %get3A_14 = vector.load %arg2[%get3A_12, %get3A_13] : memref<1000x64xf32, #tpu.memory_space<vmem>>, vector<1000x64xf32>
    %add3A_15 = arith.addf %get3A_11, %get3A_14 : vector<1000x64xf32>
    %mul3A = vector.broadcast %div3A_8 : vector<1000x1xf32> to vector<1000x64xf32>
    %mul3A_16 = arith.mulf %add3A_15, %mul3A : vector<1000x64xf32>
    %get3A_17 = arith.constant 0 : index
    %get3A_18 = arith.constant 0 : index
    %get3A_19 = vector.load %arg5[%get3A_17, %get3A_18] : memref<1000x64xf32, #tpu.memory_space<vmem>>, vector<1000x64xf32>
    %add3A_20 = arith.addf %mul3A_16, %get3A_19 : vector<1000x64xf32>
    %max3A_21 = arith.constant 0.000000e+00 : f32
    %max3A_22 = vector.broadcast %max3A_21 : f32 to vector<1000x64xf32>
    %max3A_23 = arith.maximumf %add3A_20, %max3A_22 : vector<1000x64xf32>
    %get3A_24 = arith.constant 0 : index
    %get3A_25 = arith.constant 0 : index
    %get3A_26 = vector.load %arg6[%get3A_24, %get3A_25] : memref<32x64xf32, #tpu.memory_space<vmem>>, vector<32x64xf32>
    %dot_general3A = arith.constant dense<0.000000e+00> : vector<1000x32xf32>
    %dot_general3A_27 = tpu.matmul %max3A_23, %get3A_26, %dot_general3A {dimension_numbers = #tpu.dot_dimension_numbers<[1], [1], [0], [0], [0, 0, 1, 0], [], []>, transpose_lhs_hint = false} : vector<1000x64xf32>, vector<32x64xf32>, vector<1000x32xf32> -> vector<1000x32xf32>
    %swap3A = arith.constant 0 : index
    %swap3A_28 = arith.constant 0 : index
    %swap3A_29 = vector.load %arg9[%swap3A, %swap3A_28] : memref<1000x32xf32, #tpu.memory_space<vmem>>, vector<1000x32xf32>
    tpu.vector_store %arg9[%swap3A, %swap3A_28], %dot_general3A_27 {strides = array<i32>} : memref<1000x32xf32, #tpu.memory_space<vmem>>, vector<1000x32xf32>,
    %get3A_30 = arith.constant 0 : index
    %get3A_31 = arith.constant 0 : index
    %get3A_32 = vector.load %arg7[%get3A_30, %get3A_31] : memref<32x64xf32, #tpu.memory_space<vmem>>, vector<32x64xf32>
    %dot_general3A_33 = arith.constant dense<0.000000e+00> : vector<1000x32xf32>
    %dot_general3A_34 = tpu.matmul %max3A_23, %get3A_32, %dot_general3A_33 {dimension_numbers = #tpu.dot_dimension_numbers<[1], [1], [0], [0], [0, 0, 1, 0], [], []>, transpose_lhs_hint = false} : vector<1000x64xf32>, vector<32x64xf32>, vector<1000x32xf32> -> vector<1000x32xf32>
    %get3A_35 = arith.constant 0 : index
    %get3A_36 = vector.load %arg8[%get3A_35] : memref<32xf32, #tpu.memory_space<vmem>>, vector<32xf32>
    %broadcast_in_dim3A = vector.shape_cast %get3A_36 : vector<32xf32> to vector<1x32xf32>
    %add3A_37 = vector.broadcast %broadcast_in_dim3A : vector<1x32xf32> to vector<1000x32xf32>
    %add3A_38 = arith.addf %dot_general3A_34, %add3A_37 : vector<1000x32xf32>
    %swap3A_39 = arith.constant 0 : index
    %swap3A_40 = arith.constant 0 : index
    %swap3A_41 = vector.load %arg10[%swap3A_39, %swap3A_40] : memref<1000x32xf32, #tpu.memory_space<vmem>>, vector<1000x32xf32>
    tpu.vector_store %arg10[%swap3A_39, %swap3A_40], %add3A_38 {strides = array<i32>} : memref<1000x32xf32, #tpu.memory_space<vmem>>, vector<1000x32xf32>,
    return
  }
  func.func @transform_0(%arg0: i32) -> (i32, i32) {
    %c0_i32 = arith.constant 0 : i32
    %c0_i32_0 = arith.constant 0 : i32
    return %arg0, %c0_i32 : i32, i32
  }
  func.func @transform_1(%arg0: i32) -> (i32, i32) {
    %c0_i32 = arith.constant 0 : i32
    %c0_i32_0 = arith.constant 0 : i32
    return %arg0, %c0_i32 : i32, i32
  }
  func.func @transform_2(%arg0: i32) -> (i32, i32) {
    %c0_i32 = arith.constant 0 : i32
    %c0_i32_0 = arith.constant 0 : i32
    return %arg0, %c0_i32 : i32, i32
  }
  func.func @transform_3(%arg0: i32) -> (i32, i32) {
    %c0_i32 = arith.constant 0 : i32
    %c0_i32_0 = arith.constant 0 : i32
    return %arg0, %c0_i32 : i32, i32
  }
  func.func @transform_4(%arg0: i32) -> (i32, i32) {
    %c0_i32 = arith.constant 0 : i32
    %c0_i32_0 = arith.constant 0 : i32
    return %arg0, %c0_i32 : i32, i32
  }
  func.func @transform_5(%arg0: i32) -> (i32, i32) {
    %c0_i32 = arith.constant 0 : i32
    %c0_i32_0 = arith.constant 0 : i32
    %c0_i32_1 = arith.constant 0 : i32
    return %c0_i32, %c0_i32_0 : i32, i32
  }
  func.func @transform_6(%arg0: i32) -> (i32, i32) {
    %c0_i32 = arith.constant 0 : i32
    %c0_i32_0 = arith.constant 0 : i32
    %c0_i32_1 = arith.constant 0 : i32
    return %c0_i32, %c0_i32_0 : i32, i32
  }
  func.func @transform_7(%arg0: i32) -> i32 {
    %c0_i32 = arith.constant 0 : i32
    %c0_i32_0 = arith.constant 0 : i32
    return %c0_i32 : i32
  }
  func.func @transform_8(%arg0: i32) -> (i32, i32) {
    %c0_i32 = arith.constant 0 : i32
    %c0_i32_0 = arith.constant 0 : i32
    return %arg0, %c0_i32 : i32, i32
  }
  func.func @transform_9(%arg0: i32) -> (i32, i32) {
    %c0_i32 = arith.constant 0 : i32
    %c0_i32_0 = arith.constant 0 : i32
    return %arg0, %c0_i32 : i32, i32
  }
}

module attributes {stable_mosaic.version = 14 : i64} {
  func.func @_tc_post_body(%arg0: i32, %arg1: memref<1000x32xf32, #tpu.memory_space<vmem>>, %arg2: memref<1000x32xf32, #tpu.memory_space<vmem>>, %arg3: memref<1000x1xf32, #tpu.memory_space<vmem>>, %arg4: memref<1000x1xf32, #tpu.memory_space<vmem>>, %arg5: memref<1000x32xf32, #tpu.memory_space<vmem>>, %arg6: memref<16x32xf32, #tpu.memory_space<vmem>>, %arg7: memref<16xf32, #tpu.memory_space<vmem>>, %arg8: memref<2x16xf32, #tpu.memory_space<vmem>>, %arg9: memref<2xf32, #tpu.memory_space<vmem>>, %arg10: memref<1000x2xf32, #tpu.memory_space<vmem>>) attributes {dimension_semantics = [#tpu.dimension_semantics<arbitrary>], iteration_bounds = array<i64: 10>, scalar_prefetch = 0 : i64, scratch_operands = 0 : i64, tpu.core_type = #tpu.core_type<tc>, window_params = [{transform_indices = @transform_0, window_bounds = array<i64: 1000, 32>}, {transform_indices = @transform_1, window_bounds = array<i64: 1000, 32>}, {transform_indices = @transform_2, window_bounds = array<i64: 1000, 1>}, {transform_indices = @transform_3, window_bounds = array<i64: 1000, 1>}, {transform_indices = @transform_4, window_bounds = array<i64: 1000, 32>}, {pipeline_mode = #tpu.pipeline_mode<synchronous>, transform_indices = @transform_5, window_bounds = array<i64: 16, 32>}, {pipeline_mode = #tpu.pipeline_mode<synchronous>, transform_indices = @transform_6, window_bounds = array<i64: 16>}, {pipeline_mode = #tpu.pipeline_mode<synchronous>, transform_indices = @transform_7, window_bounds = array<i64: 2, 16>}, {pipeline_mode = #tpu.pipeline_mode<synchronous>, transform_indices = @transform_8, window_bounds = array<i64: 2>}, {transform_indices = @transform_9, window_bounds = array<i64: 1000, 2>}]} {
    %get3A = arith.constant 0 : index
    %get3A_0 = arith.constant 0 : index
    %get3A_1 = vector.load %arg3[%get3A, %get3A_0] : memref<1000x1xf32, #tpu.memory_space<vmem>>, vector<1000x1xf32>
    %get3A_2 = arith.constant 0 : index
    %get3A_3 = arith.constant 0 : index
    %get3A_4 = vector.load %arg4[%get3A_2, %get3A_3] : memref<1000x1xf32, #tpu.memory_space<vmem>>, vector<1000x1xf32>
    %add3A = arith.addf %get3A_1, %get3A_4 : vector<1000x1xf32>
    %max3A = arith.constant 1.000000e+00 : f32
    %max3A_5 = vector.broadcast %max3A : f32 to vector<1000x1xf32>
    %max3A_6 = arith.maximumf %add3A, %max3A_5 : vector<1000x1xf32>
    %div3A = arith.constant 1.000000e+00 : f32
    %div3A_7 = vector.broadcast %div3A : f32 to vector<1000x1xf32>
    %div3A_8 = arith.divf %div3A_7, %max3A_6 : vector<1000x1xf32>
    %get3A_9 = arith.constant 0 : index
    %get3A_10 = arith.constant 0 : index
    %get3A_11 = vector.load %arg1[%get3A_9, %get3A_10] : memref<1000x32xf32, #tpu.memory_space<vmem>>, vector<1000x32xf32>
    %get3A_12 = arith.constant 0 : index
    %get3A_13 = arith.constant 0 : index
    %get3A_14 = vector.load %arg2[%get3A_12, %get3A_13] : memref<1000x32xf32, #tpu.memory_space<vmem>>, vector<1000x32xf32>
    %add3A_15 = arith.addf %get3A_11, %get3A_14 : vector<1000x32xf32>
    %mul3A = vector.broadcast %div3A_8 : vector<1000x1xf32> to vector<1000x32xf32>
    %mul3A_16 = arith.mulf %add3A_15, %mul3A : vector<1000x32xf32>
    %get3A_17 = arith.constant 0 : index
    %get3A_18 = arith.constant 0 : index
    %get3A_19 = vector.load %arg5[%get3A_17, %get3A_18] : memref<1000x32xf32, #tpu.memory_space<vmem>>, vector<1000x32xf32>
    %add3A_20 = arith.addf %mul3A_16, %get3A_19 : vector<1000x32xf32>
    %max3A_21 = arith.constant 0.000000e+00 : f32
    %max3A_22 = vector.broadcast %max3A_21 : f32 to vector<1000x32xf32>
    %max3A_23 = arith.maximumf %add3A_20, %max3A_22 : vector<1000x32xf32>
    %get3A_24 = arith.constant 0 : index
    %get3A_25 = arith.constant 0 : index
    %get3A_26 = vector.load %arg6[%get3A_24, %get3A_25] : memref<16x32xf32, #tpu.memory_space<vmem>>, vector<16x32xf32>
    %dot_general3A = arith.constant dense<0.000000e+00> : vector<1000x16xf32>
    %dot_general3A_27 = tpu.matmul %max3A_23, %get3A_26, %dot_general3A {dimension_numbers = #tpu.dot_dimension_numbers<[1], [1], [0], [0], [0, 0, 1, 0], [], []>, transpose_lhs_hint = false} : vector<1000x32xf32>, vector<16x32xf32>, vector<1000x16xf32> -> vector<1000x16xf32>
    %get3A_28 = arith.constant 0 : index
    %get3A_29 = vector.load %arg7[%get3A_28] : memref<16xf32, #tpu.memory_space<vmem>>, vector<16xf32>
    %broadcast_in_dim3A = vector.shape_cast %get3A_29 : vector<16xf32> to vector<1x16xf32>
    %add3A_30 = vector.broadcast %broadcast_in_dim3A : vector<1x16xf32> to vector<1000x16xf32>
    %add3A_31 = arith.addf %dot_general3A_27, %add3A_30 : vector<1000x16xf32>
    %max3A_32 = arith.constant 0.000000e+00 : f32
    %max3A_33 = vector.broadcast %max3A_32 : f32 to vector<1000x16xf32>
    %max3A_34 = arith.maximumf %add3A_31, %max3A_33 : vector<1000x16xf32>
    %get3A_35 = arith.constant 0 : index
    %get3A_36 = arith.constant 0 : index
    %get3A_37 = vector.load %arg8[%get3A_35, %get3A_36] : memref<2x16xf32, #tpu.memory_space<vmem>>, vector<2x16xf32>
    %dot_general3A_38 = arith.constant dense<0.000000e+00> : vector<1000x2xf32>
    %dot_general3A_39 = tpu.matmul %max3A_34, %get3A_37, %dot_general3A_38 {dimension_numbers = #tpu.dot_dimension_numbers<[1], [1], [0], [0], [0, 0, 1, 0], [], []>, transpose_lhs_hint = false} : vector<1000x16xf32>, vector<2x16xf32>, vector<1000x2xf32> -> vector<1000x2xf32>
    %get3A_40 = arith.constant 0 : index
    %get3A_41 = vector.load %arg9[%get3A_40] : memref<2xf32, #tpu.memory_space<vmem>>, vector<2xf32>
    %broadcast_in_dim3A_42 = vector.shape_cast %get3A_41 : vector<2xf32> to vector<1x2xf32>
    %add3A_43 = vector.broadcast %broadcast_in_dim3A_42 : vector<1x2xf32> to vector<1000x2xf32>
    %add3A_44 = arith.addf %dot_general3A_39, %add3A_43 : vector<1000x2xf32>
    %swap3A = arith.constant 0 : index
    %swap3A_45 = arith.constant 0 : index
    %swap3A_46 = vector.load %arg10[%swap3A, %swap3A_45] : memref<1000x2xf32, #tpu.memory_space<vmem>>, vector<1000x2xf32>
    tpu.vector_store %arg10[%swap3A, %swap3A_45], %add3A_44 {strides = array<i32>} : memref<1000x2xf32, #tpu.memory_space<vmem>>, vector<1000x2xf32>,
    return
  }
  func.func @transform_0(%arg0: i32) -> (i32, i32) {
    %c0_i32 = arith.constant 0 : i32
    %c0_i32_0 = arith.constant 0 : i32
    return %arg0, %c0_i32 : i32, i32
  }
  func.func @transform_1(%arg0: i32) -> (i32, i32) {
    %c0_i32 = arith.constant 0 : i32
    %c0_i32_0 = arith.constant 0 : i32
    return %arg0, %c0_i32 : i32, i32
  }
  func.func @transform_2(%arg0: i32) -> (i32, i32) {
    %c0_i32 = arith.constant 0 : i32
    %c0_i32_0 = arith.constant 0 : i32
    return %arg0, %c0_i32 : i32, i32
  }
  func.func @transform_3(%arg0: i32) -> (i32, i32) {
    %c0_i32 = arith.constant 0 : i32
    %c0_i32_0 = arith.constant 0 : i32
    return %arg0, %c0_i32 : i32, i32
  }
  func.func @transform_4(%arg0: i32) -> (i32, i32) {
    %c0_i32 = arith.constant 0 : i32
    %c0_i32_0 = arith.constant 0 : i32
    return %arg0, %c0_i32 : i32, i32
  }
  func.func @transform_5(%arg0: i32) -> (i32, i32) {
    %c0_i32 = arith.constant 0 : i32
    %c0_i32_0 = arith.constant 0 : i32
    %c0_i32_1 = arith.constant 0 : i32
    return %c0_i32, %c0_i32_0 : i32, i32
  }
  func.func @transform_6(%arg0: i32) -> i32 {
    %c0_i32 = arith.constant 0 : i32
    %c0_i32_0 = arith.constant 0 : i32
    return %c0_i32 : i32
  }
  func.func @transform_7(%arg0: i32) -> (i32, i32) {
    %c0_i32 = arith.constant 0 : i32
    %c0_i32_0 = arith.constant 0 : i32
    %c0_i32_1 = arith.constant 0 : i32
    return %c0_i32, %c0_i32_0 : i32, i32
  }
  func.func @transform_8(%arg0: i32) -> i32 {
    %c0_i32 = arith.constant 0 : i32
    %c0_i32_0 = arith.constant 0 : i32
    return %c0_i32 : i32
  }
  func.func @transform_9(%arg0: i32) -> (i32, i32) {
    %c0_i32 = arith.constant 0 : i32
    %c0_i32_0 = arith.constant 0 : i32
    return %arg0, %c0_i32 : i32, i32
  }
}

</mosaic_0001>

<sc_bundles>
// kernel: kernel.10.cloned.1.call-start
scs
__scs_entry_jumppad:
0x0: {  	(pc) =	sbr.rel $0x88, $3  }
0x1: {  	(tag) =	ssettag $0x0;
	lr =	simm.s32 $0x1  }
0x2: {  	[smem:$0x3F95] =	sst lr;
	_ =	strace $0xD0000000  }
0x3: {  	_ = 	snop  }
0x4: {  	_ = 	snop  }
0x5: {  	_ = 	snop  }
0x6: {  	_ = 	snop  }
0x7: {  	_ = 	snop  }
__scs_overlays_trampoline_lowered:
0x8: {  	[smem:$0x3FA4] =	sst s0  }
0x9: {  	[smem:$0x3FA5] =	sst s1  }
0xa: {  	[smem:$0x3FA6] =	sst s2  }
0xb: {  	[smem:$0x3FA7] =	sst s3  }
0xc: {  	[smem:$0x3FA8] =	sst s4  }
0xd: {  	[smem:$0x3FA9] =	sst s5  }
0xe: {  	[smem:$0x3FAA] =	sst s6  }
0xf: {  	[smem:$0x3FAB] =	sst s7  }
0x10: {  	[smem:$0x3FAC] =	sst s8  }
0x11: {  	[smem:$0x3FAD] =	sst s9;
	s0 =	simm.s32 @!p0 $0x0  }
0x12: {  	s1 =	sld [smem:$0x3F93];
	s0 =	simm.s32 @p0 $0x1  }
0x13: {  	[smem:$0x3FAE] =	sst s0;
	s0 =	simm.s32 @!p1 $0x0  }
0x14: {  	s2 =	sld [smem:$0x3F92];
	s0 =	simm.s32 @p1 $0x1  }
0x15: {  	[smem:$0x3FAF] =	sst s0;
	s0 =	simm.s32 @!p2 $0x0  }
0x16: {  	s3 =	sld [smem:$0x3FDB];
	s0 =	simm.s32 @p2 $0x1  }
0x17: {  	s4 =	simm.s32 $0x1BF5;
	[smem:$0x3FB1] =	sst s0  }
0x18: {  	s0 =	sld [smem:$0x3F94];
	_ =	swait.ge [sflag:s4], $0x0  }
0x19: {  	s7 =	sld [smem:$0x3F95]  }
0x1a: {  	s8 =	sadd.s32 $0xFFFFE003, lr  }
0x1b: {  	s9 =	sadd.s32 $0xFFFFFEF7, lr;
	s5 =	simm.s32 $0xFFFFFFFF;
	p2 =	slt.u32 s8, $0xFFFFF086  }
0x1c: {  	p1 =	slt.u32 s9, $0xF7A;
	s5 =	simm.s32 @!p2 $0x0  }
0x1d: {  	s5 =	simm.s32 @p1 $0x1;
	p0 =	seq.s32 s7, s2  }
0x1e: {  	s7 =	smul.u32 @!p0 $0xF7A, s2;
	p2 =	seq.s32 @!p0 s5, $0x0  }
0x1f: {  	s9 =	smul.u32 $0xF7A, s1;
	s8 =	simm.s32 @!p0 $0x1BF5;
	p2 =	por !p2, p0  }
0x20: {  	[sflag:s8] =	ssyncset.s32 @!p0 $0xFFFFF086;
	s6 =	sadd.s32 @!p0 s3, s7;
	s7 =	simm.s32 @!p0 $0x108  }
0x21: {  	s3 =	sadd.s32 s3, s9;
	s6 =	sadd.s32 @!p0 $0x88, s6;
	s7 =	simm.s32 @p2 $0x1082  }
0x22: {  	[simem:s7], [sflag:s8] =	dma.local @!p0 [hbm:s6], $0xF7A  }
0x23: {  	s9 =	sor.u32 $0xD0000000, s2;
	s6 =	simm.s32 $0x108;
	_ =	swait.ge @!p0 [sflag:s8], $0x0  }
0x24: {  	s3 =	sadd.s32 $0x88, s3;
	s6 =	simm.s32 @!p1 $0x1082;
	[sflag:s4] =	ssyncset.s32 $0xFFFFF086  }
0x25: {  	[simem:s6], [sflag:s4] =	dma.local [hbm:s3], $0xF7A  }
0x26: {  	[smem:$0x3F95] =	sst s1;
	(tag) =	ssettag s2;
	_ =	strace s9  }
0x27: {  	s1 =	sld [smem:$0x3FA5]  }
0x28: {  	s2 =	sld [smem:$0x3FA6]  }
0x29: {  	s4 =	sld [smem:$0x3FA8]  }
0x2a: {  	p0 =	seq.s32 s5, $0x0;
	s5 =	sld [smem:$0x3FA9]  }
0x2b: {  	s6 =	sld [smem:$0x3FAA]  }
0x2c: {  	s7 =	sld [smem:$0x3FAB]  }
0x2d: {  	s3 =	simm.s32 $0x108;
	s8 =	sld [smem:$0x3FAC]  }
0x2e: {  	s3 =	simm.s32 @!p0 $0x1082;
	s9 =	sld [smem:$0x3FAD]  }
0x2f: {  	lr =	sadd.s32 s0, s3;
	s0 =	sld [smem:$0x3FA4]  }
0x30: {  	s3 =	sld [smem:$0x3FA7]  }
0x31: {  	[smem:$0x3FB0] =	sst s10  }
0x32: {  	s10 =	sld [smem:$0x3FAE];
	_ =	sdelay $0x3  }
0x33: {  	p0 =	seq.s32 s10, $0x1;
	s10 =	sld [smem:$0x3FB0];
	_ =	sdelay $0x3  }
0x34: {  	[smem:$0x3FB0] =	sst s10  }
0x35: {  	s10 =	sld [smem:$0x3FAF];
	_ =	sdelay $0x3  }
0x36: {  	p1 =	seq.s32 s10, $0x1;
	s10 =	sld [smem:$0x3FB0];
	_ =	sdelay $0x3  }
0x37: {  	[smem:$0x3FB0] =	sst s10  }
0x38: {  	s10 =	sld [smem:$0x3FB1]  }
0x39: {  	_ = 	snop;
	(pc) =	sbr.ind lr, $3  }
0x3a: {  	_ = 	snop  }
0x3b: {  	_ = 	snop  }
0x3c: {  	p2 =	seq.s32 s10, $0x1;
	s10 =	sld [smem:$0x3FB0]  }
0x3d: {  	_ =	shalt  }
0x3e: {  	_ =	shalt  }
0x3f: {  	_ =	shalt  }
0x40: {  	_ =	shalt  }
0x41: {  	_ =	shalt  }
0x42: {  	_ =	shalt  }
0x43: {  	_ =	shalt  }
0x44: {  	_ =	shalt  }
0x45: {  	_ =	shalt  }
0x46: {  	_ =	shalt  }
0x47: {  	_ =	shalt  }
0x48: {  	_ =	shalt  }
0x49: {  	_ =	shalt  }
0x4a: {  	_ =	shalt  }
0x4b: {  	_ =	shalt  }
0x4c: {  	_ =	shalt  }
0x4d: {  	_ =	shalt  }
0x4e: {  	_ =	shalt  }
0x4f: {  	_ =	shalt  }
0x50: {  	_ =	shalt  }
0x51: {  	_ =	shalt  }
0x52: {  	_ =	shalt  }
0x53: {  	_ =	shalt  }
0x54: {  	_ =	shalt  }
0x55: {  	_ =	shalt  }
0x56: {  	_ =	shalt  }
0x57: {  	_ =	shalt  }
0x58: {  	_ =	shalt  }
0x59: {  	_ =	shalt  }
0x5a: {  	_ =	shalt  }
0x5b: {  	_ =	shalt  }
0x5c: {  	_ =	shalt  }
0x5d: {  	_ =	shalt  }
0x5e: {  	_ =	shalt  }
0x5f: {  	_ =	shalt  }
0x60: {  	_ =	shalt  }
0x61: {  	_ =	shalt  }
0x62: {  	_ =	shalt  }
0x63: {  	_ =	shalt  }
0x64: {  	_ =	shalt  }
0x65: {  	_ =	shalt  }
0x66: {  	_ =	shalt  }
0x67: {  	_ =	shalt  }
0x68: {  	_ =	shalt  }
0x69: {  	_ =	shalt  }
0x6a: {  	_ =	shalt  }
0x6b: {  	_ =	shalt  }
0x6c: {  	_ =	shalt  }
0x6d: {  	_ =	shalt  }
0x6e: {  	_ =	shalt  }
0x6f: {  	_ =	shalt  }
0x70: {  	_ =	shalt  }
0x71: {  	_ =	shalt  }
0x72: {  	_ =	shalt  }
0x73: {  	_ =	shalt  }
0x74: {  	_ =	shalt  }
0x75: {  	_ =	shalt  }
0x76: {  	_ =	shalt  }
0x77: {  	_ =	shalt  }
0x78: {  	_ =	shalt  }
0x79: {  	_ =	shalt  }
0x7a: {  	_ =	shalt  }
0x7b: {  	_ =	shalt  }
0x7c: {  	_ =	shalt  }
0x7d: {  	_ =	shalt  }
0x7e: {  	_ =	shalt  }
0x7f: {  	_ =	shalt  }
0x80: {  	_ =	shalt  }
0x81: {  	_ =	shalt  }
0x82: {  	_ =	shalt  }
0x83: {  	_ =	shalt  }
0x84: {  	_ =	shalt  }
0x85: {  	_ =	shalt  }
0x86: {  	_ =	shalt  }
0x87: {  	_ =	shalt  }
.Lfunc_end0:
.L_simem_size_0:
called_computation.1_lowered:
.L_overlay_start_0:
0x88: {  	s2 =	sld [smem:$0x3FD9]  }
0x89: {  	s3 =	sld [smem:$0x3FFE];
	_ =	sdelay $0x1  }
0x8a: {  	s1 =	srdreg.scid  }
0x8b: {  	s0 =	sand.u32 $0x1, s1  }
0x8c: {  	s17 =	sshll.u32 s0, $0xA;
	s2 =	sadd.s32 s3, s2  }
0x8d: {  	s2 =	sadd.s32 s2, s17  }
0x8e: {  	[smem:$0x3FBC] =	sst s2  }
0x8f: {  	_ = 	snop  }
0x90: {  	s2 =	sld [smem:$0x3FD0];
	(tm) =	ssettm $0x1  }
0x91: {  	s18 =	sld [smem:$0x3FFB];
	_ =	sdelay $0x3  }
0x92: {  	_ =	strace s18  }
0x93: {  	s3 =	sld [smem:$0x3FFC];
	_ =	sdelay $0x3  }
0x94: {  	_ =	strace s3  }
0x95: {  	s3 =	sld [smem:$0x3FFD];
	_ =	sdelay $0x3  }
0x96: {  	_ =	strace s3  }
0x97: {  	_ =	strace $0x8FFFFFFF  }
0x98: {  	s19 =	sld [smem:$0x3FDB];
	_ =	sdelay $0x1  }
0x99: {  	s4 =	simm.s32 $_scs_section_size  }
0x9a: {  	s5 =	simm.s32 $_size__tile_overlayer_lowered;
	s6 =	simm.s32 $_tile_overlayer_lowered  }
0x9b: {  	s22 =	simm.s32 $0x1BFF;
	s21 =	sshll.u32 s6, $0x1;
	s3 =	sadd.s32 s4, s19  }
0x9c: {  	s7 =	simm.s32 $0x0;
	s20 =	sshll.u32 s5, $0x1;
	s5 =	sadd.s32 s21, s3  }
0x9d: {  	[timem:s7], [sflag:s22] =	dma.local [hbm:s5], s20  }
0x9e: {  	_ =	swait.ge [sflag:s22], s20  }
0x9f: {  	s4 =	ssub.s32 $0x0, s20;
	[sflag:s22] =	ssyncset.done $0x0  }
0xa0: {  	[sflag:s22] =	ssyncadd.s32 s4;
	_ =	sdelay $0x1  }
0xa1: {  	s23 =	simm.s32 $0x1B8B  }
0xa2: {  	_ =	swait.ge [sflag:s23], $0x1  }
0xa3: {  	[sflag:s23] =	ssyncset.done $0x0  }
0xa4: {  	s25 =	simm.s32 $0x1B8E;
	s24 =	sld [smem:$0x3FFE];
	[sflag:s23] =	ssyncadd.s32 $0xFFFFFFFF  }
0xa5: {  	s26 =	simm.s32 $execute0_lowered;
	[smem:$0x3FD2] =	sst s25  }
0xa6: {  	s5 =	sshll.u32 s26, $0x1;
	_ =	strace $0x80000049;
	[dreg:$0x1] =	wrdreg $0xFFFFFFFF  }
0xa7: {  	s28 =	simm.s32 $_size_execute0_lowered;
	s3 =	sadd.s32 s3, s5;
	[dreg:$0x0] =	wrdreg $0x0  }
0xa8: {  	s5 =	sshll.u32 s28, $0x1;
	[dreg:$0x2] =	wrdreg s3  }
0xa9: {  	[dreg:$0x3] =	wrdreg s5  }
0xaa: {  	[dreg:$0x4] =	wrdreg $0xC0  }
0xab: {  	_ =	task [dreg:s7], $0x5FFFF  }
0xac: {  	[dreg:$0x1] =	wrdreg $0xFFFFFFFF  }
0xad: {  	[dreg:$0x0] =	wrdreg $0x60  }
0xae: {  	[dreg:$0x2] =	wrdreg s24  }
0xaf: {  	[dreg:$0x3] =	wrdreg s2  }
0xb0: {  	[dreg:$0x4] =	wrdreg $0x0  }
0xb1: {  	[dreg:$0x5] =	wrdreg $0x50000  }
0xb2: {  	[dreg:$0x6] =	wrdreg $0x9  }
0xb3: {  	_ =	task.clear_ibuf [dreg:s7], $0x7FFFF;
	_ =	strace $0x90000049  }
0xb4: {  	s29 =	simm.s32 $0x9;
	_ =	strace $0x8000004B  }
0xb5: {  	_ =	swait.ge [sflag:s29], $0x1  }
0xb6: {  	[sflag:s29] =	ssyncadd.s32 $0xFFFFFFFF  }
0xb7: {  	_ =	strace $0x9000004B  }
0xb8: {  	_ =	sfence  }
0xb9: {  	s30 =	sld [smem:$0x0];
	_ =	sdelay $0x2  }
0xba: {  	s31 =	sshll.u32 s1, $0xD;
	s1 =	sshrl.u32 s1, $0x2  }
0xbb: {  	s3 =	sand.u32 $0x4000, s31;
	s1 =	sadd.s32 s1, s30  }
0xbc: {  	s0 =	sor.u32 s3, s0;
	s1 =	sshll.u32 s1, $0x11  }
0xbd: {  	s0 =	sor.u32 s1, s0  }
0xbe: {  	s0 =	sadd.s32 $0x8F2B, s0  }
0xbf: {  	[sflag:s0] =	ssyncadd.remote.s32 $0x1  }
0xc0: {  	_ =	sfence.sel $0xFFFF  }
0xc1: {  	[dreg:$0x0] =	wrdreg $0xFFFFFFFF;
	(pc) =	sbr.abs _section_cstart, $3  }
0xc2: {  	[dreg:$0x1] =	wrdreg $0xFFFFFFFF  }
0xc3: {  	_ =	task.clear_ibuf [dreg:s7], $0x2FFFF;
	_ =	strace $0x9FFFFFFF  }
0xc4: {  	(tm) =	ssettm $0x7FFFFFFF  }
0xc5: {  	_ =	shalt  }
tec
execute0_lowered:
.L_overlay_start_1:
0x0: {  	(tag) =	ssettag $0x1  }
0x1: {  	s0 =	rddreg [dreg:$0x0]  }
0x2: {  	s2 =	rddreg [dreg:$0x1]  }
0x3: {  	s3 =	rddreg [dreg:$0x2]  }
0x4: {  	s4 =	rddreg [dreg:$0x3]  }
0x5: {  	s5 =	stileid.u32;
	s1 =	srdreg.scid  }
0x6: {  	s9 =	simm.s32 $0x0;
	s19 =	simm.s32 $0xA000;
	s20 =	simm.s32 $0xC800  }
0x7: {  	s21 =	simm.s32 $0x5;
	s22 =	simm.s32 $0x80;
	s23 =	simm.s32 $0xF000  }
0x8: {  	s24 =	simm.s32 $0x1;
	s28 =	simm.s32 $0x2;
	s8 =	smul.u32 $0x4E20, s5  }
0x9: {  	s30 =	simm.s32 $0x3;
	s1 =	sand.u32 $0x1, s1;
	s7 =	smul.u32 $0x5000, s5  }
0xa: {  	[smem:$0x7FF] =	sst s9;
	s11 =	smul.u32 $0x14000, s5;
	s6 =	sshll.u32 s1, $0x4  }
0xb: {  	s25 =	smul.u32 $0x50000, s1;
	_ =	strace $0x8000004A;
	s1 =	ssub.s32 $0x2, s1  }
0xc: {  	s6 =	sor.u32 s5, s6;
	s10 =	sshrl.u32 s8, $0x3;
	s29 =	sshrl.u32 s1, $0x1  }
0xd: {  	s31 =	sshrl.u32 s11, $0x2;
	s13 =	sadd.s32 s7, s3;
	s18 =	sadd.s32 s8, s4  }
0xe: {  	s6 =	smul.u32 $0x500, s6;
	s10 =	sadd.s32 s10, s0;
	s9 =	sadd.s32 s7, s25  }
0xf: {  	s1 =	ssub.s32 s1, s29;
	s13 =	sshrl.u32 s13, $0x3;
	s18 =	sshrl.u32 s18, $0x3  }
0x10: {  	s25 =	simm.s32 $0x0;
	s26 =	sshrl.u32 s9, $0x3;
	s9 =	sadd.s32 s31, s3  }
0x11: {  	s8 =	sadd.s32 $0x2800, s10;
	s12 =	sadd.s32 s6, s0;
	s0 =	sadd.s32 s26, s0  }
0x12: {  	s6 =	sshll.u32 s5, $0x6;
	s14 =	sadd.s32 $0x1000, s9;
	s15 =	sadd.s32 $0x2000, s9  }
.Ltmp0:
0x13: {  	s16 =	sadd.s32 $0x3000, s9;
	s17 =	sadd.s32 $0x4000, s9;
	(pc) =	sbr.rel .LBB2_1-.Ltmp0, $4  }
0x14: {  	s26 =	simm.s32 $0x10000;
	s7 =	sor.u32 $0x1C05, s6;
	s9 =	sadd.s32 $0x16200, s12  }
0x15: {  	s10 =	sadd.s32 $0x20200, s12;
	s11 =	sadd.s32 $0x2A200, s0;
	s12 =	smax.u32 s1, $0x1  }
0x16: {  	s14 =	sshrl.u32 s14, $0x3;
	s15 =	sshrl.u32 s15, $0x3;
	s16 =	sshrl.u32 s16, $0x3  }
0x17: {  	s17 =	sshrl.u32 s17, $0x3;
	s0 =	simm.s32 $0x4;
	s1 =	simm.s32 $0x6  }
.LBB2_4:
0x18: {  	_ =	swait.ge [sflag:s0], $0x1000  }
0x19: {  	s25 =	sadd.s32 $0x1, s25;
	[sflag:s0] =	ssyncset.done $0x0  }
0x1a: {  	p0 =	sne.s32 s25, s12;
	[sflag:s0] =	ssyncadd.s32 $0xFFFFF000  }
.Ltmp1:
0x1b: {  	s5 =	sor.u32 $0x1C06, s6;
	[bflag:$0x0] =	sbarrier.arrive $0xFFFF;
	(pc) =	sbr.rel @!p0 .LBB2_5-.Ltmp1, $4  }
0x1c: {  	[hbm:s11], [sflag:s5] =	dma.local [spmem:s13], $0xA00  }
0x1d: {  	_ =	swait.ge [sflag:s1], $0xA00  }
0x1e: {  	[sflag:s1] =	ssyncset.done $0x0  }
0x1f: {  	[sflag:s1] =	ssyncadd.s32 $0xFFFFF600  }
.LBB2_1:
0x20: {  	[spmem:s13], [sflag:s7] =	dma.local [hbm:s2], $0x200  }
0x21: {  	s5 =	simm.s32 $0x0  }
0x22: {  	[spmem:s14], [sflag:s7] =	dma.local [hbm:s2], $0x200  }
0x23: {  	[spmem:s15], [sflag:s7] =	dma.local [hbm:s2], $0x200  }
0x24: {  	[spmem:s16], [sflag:s7] =	dma.local [hbm:s2], $0x200  }
0x25: {  	[spmem:s17], [sflag:s7] =	dma.local [hbm:s2], $0x200  }
0x26: {  	[spmem:s18], [sflag:s7] =	dma.local [hbm:s8], $0x9C4  }
0x27: {  	[tilespmem:s19], [sflag:$0x5] =	stream.linear.gather [hbm4b:s9+s5], $0x2800, $0x38;
	[tilespmem:$0x11000] =	vst v63  }
0x28: {  	_ = 	snop  }
0x29: {  	[tilespmem:s20], [sflag:$0x5] =	stream.linear.gather [hbm4b:s10+s5], $0x2800, $0x38;
	[tilespmem:$0x11000] =	vst v63  }
0x2a: {  	_ =	swait.ge [sflag:s21], $0x200  }
0x2b: {  	[sflag:s21] =	ssyncset.done $0x0  }
0x2c: {  	[sflag:s21] =	ssyncadd.s32 $0xFFFFFE00  }
0x2d: {  	_ =	swait.ge [sflag:s21], $0x200  }
0x2e: {  	[sflag:s21] =	ssyncset.done $0x0  }
0x2f: {  	[sflag:s21] =	ssyncadd.s32 $0xFFFFFE00  }
0x30: {  	_ =	swait.ge [sflag:s21], $0x200  }
0x31: {  	[sflag:s21] =	ssyncset.done $0x0  }
0x32: {  	[sflag:s21] =	ssyncadd.s32 $0xFFFFFE00  }
0x33: {  	_ =	swait.ge [sflag:s21], $0x200  }
0x34: {  	[sflag:s21] =	ssyncset.done $0x0  }
0x35: {  	[sflag:s21] =	ssyncadd.s32 $0xFFFFFE00  }
0x36: {  	_ =	swait.ge [sflag:s21], $0x200  }
0x37: {  	[sflag:s21] =	ssyncset.done $0x0  }
0x38: {  	[sflag:s21] =	ssyncadd.s32 $0xFFFFFE00  }
0x39: {  	_ =	swait.ge [sflag:s21], $0x9C4  }
0x3a: {  	[sflag:s21] =	ssyncset.done $0x0  }
0x3b: {  	[sflag:s21] =	ssyncadd.s32 $0xFFFFF63C  }
0x3c: {  	_ =	swait.ge [sflag:s21], $0x2800  }
0x3d: {  	[sflag:s21] =	ssyncset.done $0x0  }
0x3e: {  	[sflag:s21] =	ssyncadd.s32 $0xFFFFD800  }
0x3f: {  	_ =	swait.ge [sflag:s21], $0x2800  }
0x40: {  	[sflag:s21] =	ssyncset.done $0x0  }
0x41: {  	[sflag:s21] =	ssyncadd.s32 $0xFFFFD800  }
0x42: {  	[bflag:$0x0] =	sbarrier.arrive $0xFFFF  }
0x43: {  	[tilespmem:s23], [sflag:$0x1] =	stream.indirect.gather [spmem:s4], $0x20, s19, s22, $0xb8;
	[tilespmem:$0x11000] =	vst v63  }
0x44: {  	_ =	swait.ge [sflag:s24], $0x1000  }
0x45: {  	[sflag:s24] =	ssyncset.done $0x0  }
0x46: {  	[sflag:s24] =	ssyncadd.s32 $0xFFFFF000  }
0x47: {  	[spmem:s3] =	stream.indirect.scatter.add.f32 [tilespmem:s23], [sflag:$0x3], $0x20, s20, s22, $0xb8;
	[tilespmem:$0x11000] =	vst v63  }
0x48: {  	s31 =	simm.s32 $0xA080  }
0x49: {  	[tilespmem:s26], [sflag:$0x2] =	stream.indirect.gather [spmem:s4], $0x20, s31, s22, $0xb8;
	[tilespmem:$0x11000] =	vst v63  }
0x4a: {  	_ =	swait.ge [sflag:s28], $0x1000  }
0x4b: {  	[sflag:s28] =	ssyncset.done $0x0  }
0x4c: {  	s31 =	simm.s32 $0xC880;
	[sflag:s28] =	ssyncadd.s32 $0xFFFFF000  }
0x4d: {  	[spmem:s3] =	stream.indirect.scatter.add.f32 [tilespmem:s26], [sflag:$0x4], $0x20, s31, s22, $0xb8;
	[tilespmem:$0x11000] =	vst v63  }
0x4e: {  	_ =	swait.ge [sflag:s30], $0x1000  }
0x4f: {  	[sflag:s30] =	ssyncset.done $0x0  }
0x50: {  	s29 =	simm.s32 $0xFFFF6800;
	s31 =	simm.s32 $0xA100;
	[sflag:s30] =	ssyncadd.s32 $0xFFFFF000  }
0x51: {  	[tilespmem:s23], [sflag:$0x1] =	stream.indirect.gather [spmem:s4], $0x20, s31, s22, $0xb8;
	[tilespmem:$0x11000] =	vst v63  }
.LBB2_2:
0x52: {  	_ =	swait.ge [sflag:s24], $0x1000  }
0x53: {  	s31 =	sshra.s32 s29, $0x2;
	[sflag:s24] =	ssyncset.done $0x0  }
0x54: {  	s5 =	sadd.s32 $0xEF00, s31;
	[sflag:s24] =	ssyncadd.s32 $0xFFFFF000  }
0x55: {  	[spmem:s3] =	stream.indirect.scatter.add.f32 [tilespmem:s23], [sflag:$0x3], $0x20, s5, s22, $0xb8;
	[tilespmem:$0x11000] =	vst v63  }
0x56: {  	_ =	swait.ge [sflag:s0], $0x1000  }
0x57: {  	[sflag:s0] =	ssyncset.done $0x0  }
0x58: {  	s5 =	sadd.s32 $0xC780, s31;
	[sflag:s0] =	ssyncadd.s32 $0xFFFFF000  }
0x59: {  	[tilespmem:s26], [sflag:$0x2] =	stream.indirect.gather [spmem:s4], $0x20, s5, s22, $0xb8;
	[tilespmem:$0x11000] =	vst v63  }
0x5a: {  	_ =	swait.ge [sflag:s28], $0x1000  }
0x5b: {  	p0 =	seq.s32 s29, $0x0;
	[sflag:s28] =	ssyncset.done $0x0  }
.Ltmp2:
0x5c: {  	s5 =	sadd.s32 $0xEF80, s31;
	[sflag:s28] =	ssyncadd.s32 $0xFFFFF000;
	(pc) =	sbr.rel @p0 .LBB2_4-.Ltmp2, $4  }
0x5d: {  	[spmem:s3] =	stream.indirect.scatter.add.f32 [tilespmem:s26], [sflag:$0x4], $0x20, s5, s22, $0xb8;
	[tilespmem:$0x11000] =	vst v63  }
0x5e: {  	_ =	swait.ge [sflag:s30], $0x1000  }
0x5f: {  	[sflag:s30] =	ssyncset.done $0x0  }
0x60: {  	[sflag:s30] =	ssyncadd.s32 $0xFFFFF000  }
.Ltmp3:
0x61: {  	(pc) =	sbr.rel .LBB2_2-.Ltmp3, $3  }
0x62: {  	_ =	sdelay $0x1  }
0x63: {  	s5 =	sadd.s32 $0xC800, s31;
	s29 =	sadd.s32 $0x400, s29  }
0x64: {  	[tilespmem:s23], [sflag:$0x1] =	stream.indirect.gather [spmem:s4], $0x20, s5, s22, $0xb8;
	[tilespmem:$0x11000] =	vst v63  }
.LBB2_5:
0x65: {  	_ =	sfence.sel $0x180000  }
0x66: {  	[bflag:$0x0] =	sbarrier.arrive $0xFFFF  }
0x67: {  	_ =	strace $0x9000004A  }
0x68: {  	s0 =	stileid.u32;
	[bflag:$0x2] =	sbarrier.arrive $0xFFFF  }
0x69: {  	p0 =	sne.s32 s0, $0x0;
	s0 =	rddreg [dreg:$0x4]  }
0x6a: {  	s0 =	sadd.s32 @!p0 $0x100000, s0  }
0x6b: {  	[sflag:s0] =	ssyncadd.tile.s32 @!p0 $0x1;
	_ =	shalt  }
.Lfunc_end2:
_tile_overlayer_lowered:
.L_overlay_start_2:
0x6c: {  	(tag) =	ssettag $0x2  }
0x6d: {  	s0 =	rddreg [dreg:$0x0];
	s2 =	stileid.u32  }
0x6e: {  	s1 =	rddreg [dreg:$0x1];
	p0 =	sne.s32 s2, $0x0  }
0x6f: {  	s3 =	rddreg [dreg:$0x2];
	[bflag:$0x3] =	sbarrier.arrive $0xFFFF;
	s2 =	simm.s32 @!p0 $0x1C06  }
0x70: {  	[timem:s3], [sflag:s2] =	dma.local @!p0 [hbm:s0], s1  }
0x71: {  	s0 =	simm.s32 @!p0 $0x6  }
0x72: {  	_ =	swait.ge @!p0 [sflag:s0], s1  }
0x73: {  	s1 =	ssub.s32 @!p0 $0x0, s1;
	[sflag:s0] =	ssyncset.done @!p0 $0x0  }
0x74: {  	[sflag:s0] =	ssyncadd.s32 @!p0 s1  }
0x75: {  	[bflag:$0x3] =	sbarrier.arrive $0xFFFF  }
0x76: {  	_ =	shalt  }

// kernel: kernel.7.cloned.1.call-start
scs
__scs_entry_jumppad:
0x0: {  	(pc) =	sbr.rel $0x88, $3  }
0x1: {  	(tag) =	ssettag $0x0;
	lr =	simm.s32 $0x1  }
0x2: {  	[smem:$0x3F95] =	sst lr;
	_ =	strace $0xD0000000  }
0x3: {  	_ = 	snop  }
0x4: {  	_ = 	snop  }
0x5: {  	_ = 	snop  }
0x6: {  	_ = 	snop  }
0x7: {  	_ = 	snop  }
__scs_overlays_trampoline_lowered:
0x8: {  	[smem:$0x3FA4] =	sst s0  }
0x9: {  	[smem:$0x3FA5] =	sst s1  }
0xa: {  	[smem:$0x3FA6] =	sst s2  }
0xb: {  	[smem:$0x3FA7] =	sst s3  }
0xc: {  	[smem:$0x3FA8] =	sst s4  }
0xd: {  	[smem:$0x3FA9] =	sst s5  }
0xe: {  	[smem:$0x3FAA] =	sst s6  }
0xf: {  	[smem:$0x3FAB] =	sst s7  }
0x10: {  	[smem:$0x3FAC] =	sst s8  }
0x11: {  	[smem:$0x3FAD] =	sst s9;
	s0 =	simm.s32 @!p0 $0x0  }
0x12: {  	s1 =	sld [smem:$0x3F93];
	s0 =	simm.s32 @p0 $0x1  }
0x13: {  	[smem:$0x3FAE] =	sst s0;
	s0 =	simm.s32 @!p1 $0x0  }
0x14: {  	s2 =	sld [smem:$0x3F92];
	s0 =	simm.s32 @p1 $0x1  }
0x15: {  	[smem:$0x3FAF] =	sst s0;
	s0 =	simm.s32 @!p2 $0x0  }
0x16: {  	s3 =	sld [smem:$0x3FDB];
	s0 =	simm.s32 @p2 $0x1  }
0x17: {  	s4 =	simm.s32 $0x1BF5;
	[smem:$0x3FB1] =	sst s0  }
0x18: {  	s0 =	sld [smem:$0x3F94];
	_ =	swait.ge [sflag:s4], $0x0  }
0x19: {  	s7 =	sld [smem:$0x3F95]  }
0x1a: {  	s8 =	sadd.s32 $0xFFFFE003, lr  }
0x1b: {  	s9 =	sadd.s32 $0xFFFFFEF7, lr;
	s5 =	simm.s32 $0xFFFFFFFF;
	p2 =	slt.u32 s8, $0xFFFFF086  }
0x1c: {  	p1 =	slt.u32 s9, $0xF7A;
	s5 =	simm.s32 @!p2 $0x0  }
0x1d: {  	s5 =	simm.s32 @p1 $0x1;
	p0 =	seq.s32 s7, s2  }
0x1e: {  	s7 =	smul.u32 @!p0 $0xF7A, s2;
	p2 =	seq.s32 @!p0 s5, $0x0  }
0x1f: {  	s9 =	smul.u32 $0xF7A, s1;
	s8 =	simm.s32 @!p0 $0x1BF5;
	p2 =	por !p2, p0  }
0x20: {  	[sflag:s8] =	ssyncset.s32 @!p0 $0xFFFFF086;
	s6 =	sadd.s32 @!p0 s3, s7;
	s7 =	simm.s32 @!p0 $0x108  }
0x21: {  	s3 =	sadd.s32 s3, s9;
	s6 =	sadd.s32 @!p0 $0x88, s6;
	s7 =	simm.s32 @p2 $0x1082  }
0x22: {  	[simem:s7], [sflag:s8] =	dma.local @!p0 [hbm:s6], $0xF7A  }
0x23: {  	s9 =	sor.u32 $0xD0000000, s2;
	s6 =	simm.s32 $0x108;
	_ =	swait.ge @!p0 [sflag:s8], $0x0  }
0x24: {  	s3 =	sadd.s32 $0x88, s3;
	s6 =	simm.s32 @!p1 $0x1082;
	[sflag:s4] =	ssyncset.s32 $0xFFFFF086  }
0x25: {  	[simem:s6], [sflag:s4] =	dma.local [hbm:s3], $0xF7A  }
0x26: {  	[smem:$0x3F95] =	sst s1;
	(tag) =	ssettag s2;
	_ =	strace s9  }
0x27: {  	s1 =	sld [smem:$0x3FA5]  }
0x28: {  	s2 =	sld [smem:$0x3FA6]  }
0x29: {  	s4 =	sld [smem:$0x3FA8]  }
0x2a: {  	p0 =	seq.s32 s5, $0x0;
	s5 =	sld [smem:$0x3FA9]  }
0x2b: {  	s6 =	sld [smem:$0x3FAA]  }
0x2c: {  	s7 =	sld [smem:$0x3FAB]  }
0x2d: {  	s3 =	simm.s32 $0x108;
	s8 =	sld [smem:$0x3FAC]  }
0x2e: {  	s3 =	simm.s32 @!p0 $0x1082;
	s9 =	sld [smem:$0x3FAD]  }
0x2f: {  	lr =	sadd.s32 s0, s3;
	s0 =	sld [smem:$0x3FA4]  }
0x30: {  	s3 =	sld [smem:$0x3FA7]  }
0x31: {  	[smem:$0x3FB0] =	sst s10  }
0x32: {  	s10 =	sld [smem:$0x3FAE];
	_ =	sdelay $0x3  }
0x33: {  	p0 =	seq.s32 s10, $0x1;
	s10 =	sld [smem:$0x3FB0];
	_ =	sdelay $0x3  }
0x34: {  	[smem:$0x3FB0] =	sst s10  }
0x35: {  	s10 =	sld [smem:$0x3FAF];
	_ =	sdelay $0x3  }
0x36: {  	p1 =	seq.s32 s10, $0x1;
	s10 =	sld [smem:$0x3FB0];
	_ =	sdelay $0x3  }
0x37: {  	[smem:$0x3FB0] =	sst s10  }
0x38: {  	s10 =	sld [smem:$0x3FB1]  }
0x39: {  	_ = 	snop;
	(pc) =	sbr.ind lr, $3  }
0x3a: {  	_ = 	snop  }
0x3b: {  	_ = 	snop  }
0x3c: {  	p2 =	seq.s32 s10, $0x1;
	s10 =	sld [smem:$0x3FB0]  }
0x3d: {  	_ =	shalt  }
0x3e: {  	_ =	shalt  }
0x3f: {  	_ =	shalt  }
0x40: {  	_ =	shalt  }
0x41: {  	_ =	shalt  }
0x42: {  	_ =	shalt  }
0x43: {  	_ =	shalt  }
0x44: {  	_ =	shalt  }
0x45: {  	_ =	shalt  }
0x46: {  	_ =	shalt  }
0x47: {  	_ =	shalt  }
0x48: {  	_ =	shalt  }
0x49: {  	_ =	shalt  }
0x4a: {  	_ =	shalt  }
0x4b: {  	_ =	shalt  }
0x4c: {  	_ =	shalt  }
0x4d: {  	_ =	shalt  }
0x4e: {  	_ =	shalt  }
0x4f: {  	_ =	shalt  }
0x50: {  	_ =	shalt  }
0x51: {  	_ =	shalt  }
0x52: {  	_ =	shalt  }
0x53: {  	_ =	shalt  }
0x54: {  	_ =	shalt  }
0x55: {  	_ =	shalt  }
0x56: {  	_ =	shalt  }
0x57: {  	_ =	shalt  }
0x58: {  	_ =	shalt  }
0x59: {  	_ =	shalt  }
0x5a: {  	_ =	shalt  }
0x5b: {  	_ =	shalt  }
0x5c: {  	_ =	shalt  }
0x5d: {  	_ =	shalt  }
0x5e: {  	_ =	shalt  }
0x5f: {  	_ =	shalt  }
0x60: {  	_ =	shalt  }
0x61: {  	_ =	shalt  }
0x62: {  	_ =	shalt  }
0x63: {  	_ =	shalt  }
0x64: {  	_ =	shalt  }
0x65: {  	_ =	shalt  }
0x66: {  	_ =	shalt  }
0x67: {  	_ =	shalt  }
0x68: {  	_ =	shalt  }
0x69: {  	_ =	shalt  }
0x6a: {  	_ =	shalt  }
0x6b: {  	_ =	shalt  }
0x6c: {  	_ =	shalt  }
0x6d: {  	_ =	shalt  }
0x6e: {  	_ =	shalt  }
0x6f: {  	_ =	shalt  }
0x70: {  	_ =	shalt  }
0x71: {  	_ =	shalt  }
0x72: {  	_ =	shalt  }
0x73: {  	_ =	shalt  }
0x74: {  	_ =	shalt  }
0x75: {  	_ =	shalt  }
0x76: {  	_ =	shalt  }
0x77: {  	_ =	shalt  }
0x78: {  	_ =	shalt  }
0x79: {  	_ =	shalt  }
0x7a: {  	_ =	shalt  }
0x7b: {  	_ =	shalt  }
0x7c: {  	_ =	shalt  }
0x7d: {  	_ =	shalt  }
0x7e: {  	_ =	shalt  }
0x7f: {  	_ =	shalt  }
0x80: {  	_ =	shalt  }
0x81: {  	_ =	shalt  }
0x82: {  	_ =	shalt  }
0x83: {  	_ =	shalt  }
0x84: {  	_ =	shalt  }
0x85: {  	_ =	shalt  }
0x86: {  	_ =	shalt  }
0x87: {  	_ =	shalt  }
.Lfunc_end0:
.L_simem_size_0:
called_computation_lowered:
.L_overlay_start_0:
0x88: {  	s2 =	sld [smem:$0x3FD9]  }
0x89: {  	s3 =	sld [smem:$0x3FFE];
	_ =	sdelay $0x1  }
0x8a: {  	s1 =	srdreg.scid  }
0x8b: {  	s0 =	sand.u32 $0x1, s1  }
0x8c: {  	s17 =	sshll.u32 s0, $0xA;
	s2 =	sadd.s32 s3, s2  }
0x8d: {  	s2 =	sadd.s32 s2, s17  }
0x8e: {  	[smem:$0x3FBC] =	sst s2  }
0x8f: {  	_ = 	snop  }
0x90: {  	s2 =	sld [smem:$0x3FD0];
	(tm) =	ssettm $0x1  }
0x91: {  	s18 =	sld [smem:$0x3FFB];
	_ =	sdelay $0x3  }
0x92: {  	_ =	strace s18  }
0x93: {  	s3 =	sld [smem:$0x3FFC];
	_ =	sdelay $0x3  }
0x94: {  	_ =	strace s3  }
0x95: {  	s3 =	sld [smem:$0x3FFD];
	_ =	sdelay $0x3  }
0x96: {  	_ =	strace s3  }
0x97: {  	_ =	strace $0x8FFFFFFF  }
0x98: {  	s19 =	sld [smem:$0x3FDB];
	_ =	sdelay $0x1  }
0x99: {  	s4 =	simm.s32 $_scs_section_size  }
0x9a: {  	s5 =	simm.s32 $_size__tile_overlayer_lowered;
	s6 =	simm.s32 $_tile_overlayer_lowered  }
0x9b: {  	s22 =	simm.s32 $0x1BFF;
	s21 =	sshll.u32 s6, $0x1;
	s3 =	sadd.s32 s4, s19  }
0x9c: {  	s7 =	simm.s32 $0x0;
	s20 =	sshll.u32 s5, $0x1;
	s5 =	sadd.s32 s21, s3  }
0x9d: {  	[timem:s7], [sflag:s22] =	dma.local [hbm:s5], s20  }
0x9e: {  	_ =	swait.ge [sflag:s22], s20  }
0x9f: {  	s4 =	ssub.s32 $0x0, s20;
	[sflag:s22] =	ssyncset.done $0x0  }
0xa0: {  	[sflag:s22] =	ssyncadd.s32 s4;
	_ =	sdelay $0x1  }
0xa1: {  	s23 =	simm.s32 $0x1B8B  }
0xa2: {  	_ =	swait.ge [sflag:s23], $0x1  }
0xa3: {  	[sflag:s23] =	ssyncset.done $0x0  }
0xa4: {  	s25 =	simm.s32 $0x1B8E;
	s24 =	sld [smem:$0x3FFE];
	[sflag:s23] =	ssyncadd.s32 $0xFFFFFFFF  }
0xa5: {  	s26 =	simm.s32 $execute0_lowered;
	[smem:$0x3FD2] =	sst s25  }
0xa6: {  	s5 =	sshll.u32 s26, $0x1;
	_ =	strace $0x80000046;
	[dreg:$0x1] =	wrdreg $0xFFFFFFFF  }
0xa7: {  	s28 =	simm.s32 $_size_execute0_lowered;
	s3 =	sadd.s32 s3, s5;
	[dreg:$0x0] =	wrdreg $0x0  }
0xa8: {  	s5 =	sshll.u32 s28, $0x1;
	[dreg:$0x2] =	wrdreg s3  }
0xa9: {  	[dreg:$0x3] =	wrdreg s5  }
0xaa: {  	[dreg:$0x4] =	wrdreg $0xC0  }
0xab: {  	_ =	task [dreg:s7], $0x5FFFF  }
0xac: {  	[dreg:$0x1] =	wrdreg $0xFFFFFFFF  }
0xad: {  	[dreg:$0x0] =	wrdreg $0x60  }
0xae: {  	[dreg:$0x2] =	wrdreg s24  }
0xaf: {  	[dreg:$0x3] =	wrdreg s2  }
0xb0: {  	[dreg:$0x4] =	wrdreg $0x0  }
0xb1: {  	[dreg:$0x5] =	wrdreg $0xA0000  }
0xb2: {  	[dreg:$0x6] =	wrdreg $0x1D0000  }
0xb3: {  	[dreg:$0x7] =	wrdreg $0x9  }
0xb4: {  	_ =	task.clear_ibuf [dreg:s7], $0x8FFFF;
	_ =	strace $0x90000046  }
0xb5: {  	s29 =	simm.s32 $0x9;
	_ =	strace $0x80000048  }
0xb6: {  	_ =	swait.ge [sflag:s29], $0x1  }
0xb7: {  	[sflag:s29] =	ssyncadd.s32 $0xFFFFFFFF  }
0xb8: {  	_ =	strace $0x90000048  }
0xb9: {  	_ =	sfence  }
0xba: {  	s30 =	sld [smem:$0x0];
	_ =	sdelay $0x2  }
0xbb: {  	s31 =	sshll.u32 s1, $0xD;
	s1 =	sshrl.u32 s1, $0x2  }
0xbc: {  	s3 =	sand.u32 $0x4000, s31;
	s1 =	sadd.s32 s1, s30  }
0xbd: {  	s0 =	sor.u32 s3, s0;
	s1 =	sshll.u32 s1, $0x11  }
0xbe: {  	s0 =	sor.u32 s1, s0  }
0xbf: {  	s0 =	sadd.s32 $0x8F2B, s0  }
0xc0: {  	[sflag:s0] =	ssyncadd.remote.s32 $0x1  }
0xc1: {  	_ =	sfence.sel $0xFFFF  }
0xc2: {  	[dreg:$0x0] =	wrdreg $0xFFFFFFFF;
	(pc) =	sbr.abs _section_cstart, $3  }
0xc3: {  	[dreg:$0x1] =	wrdreg $0xFFFFFFFF  }
0xc4: {  	_ =	task.clear_ibuf [dreg:s7], $0x2FFFF;
	_ =	strace $0x9FFFFFFF  }
0xc5: {  	(tm) =	ssettm $0x7FFFFFFF  }
tec
execute0_lowered:
.L_overlay_start_1:
0x0: {  	(tag) =	ssettag $0x1  }
0x1: {  	s0 =	rddreg [dreg:$0x0]  }
0x2: {  	s2 =	rddreg [dreg:$0x2]  }
0x3: {  	s1 =	srdreg.scid;
	s4 =	rddreg [dreg:$0x3]  }
0x4: {  	s15 =	stileid.u32;
	s5 =	rddreg [dreg:$0x4]  }
0x5: {  	s7 =	simm.s32 $0x0;
	s28 =	simm.s32 $0x19000;
	s6 =	smul.u32 $0x9C40, s15  }
0x6: {  	s29 =	simm.s32 $0x1;
	s30 =	simm.s32 $0x1D280;
	s8 =	smul.u32 $0xA000, s15  }
0x7: {  	s31 =	simm.s32 $0x3;
	s1 =	sand.u32 $0x1, s1;
	s10 =	smul.u32 $0x280, s15  }
0x8: {  	[smem:$0x7FF] =	sst s7;
	s7 =	sadd.s32 $0x2A200, s0;
	s13 =	smul.u32 $0x28000, s15  }
0x9: {  	s21 =	sshll.u32 s15, $0x6;
	s3 =	sshll.u32 s1, $0x4;
	s16 =	smul.u32 $0xA0000, s1  }
0xa: {  	_ =	strace $0x80000047;
	s12 =	smul.u32 $0x2800, s1;
	s1 =	ssub.s32 $0x2, s1  }
0xb: {  	[dreg:$0x6] =	wrdreg s21;
	s3 =	sor.u32 s15, s3;
	s9 =	sshrl.u32 s6, $0x3  }
0xc: {  	s19 =	sshrl.u32 s1, $0x1;
	s20 =	sshrl.u32 s13, $0x2;
	s6 =	sadd.s32 s6, s4  }
0xd: {  	s25 =	sadd.s32 s10, s5;
	s3 =	smul.u32 $0x500, s3;
	s11 =	sadd.s32 s9, s0  }
0xe: {  	s17 =	sadd.s32 s8, s16;
	s12 =	sadd.s32 s10, s12;
	s1 =	ssub.s32 s1, s19  }
0xf: {  	s8 =	sadd.s32 s8, s2;
	s22 =	sadd.s32 s20, s2;
	[dreg:$0xa] =	wrdreg s25  }
0x10: {  	s25 =	simm.s32 $0x5;
	s10 =	simm.s32 $0x7;
	s9 =	sshrl.u32 s17, $0x3  }
0x11: {  	s18 =	sshrl.u32 s12, $0x3;
	s23 =	sadd.s32 $0x2000, s22;
	s19 =	sadd.s32 $0x4000, s22  }
0x12: {  	s20 =	sadd.s32 $0x6000, s22;
	s12 =	sadd.s32 $0x8000, s22;
	s11 =	sadd.s32 $0x2800, s11  }
0x13: {  	s16 =	smax.u32 s1, $0x1;
	s17 =	sshrl.u32 s8, $0x3;
	s22 =	sshrl.u32 s6, $0x3  }
0x14: {  	s1 =	simm.s32 $0x16880;
	s6 =	simm.s32 $0x4;
	s8 =	simm.s32 $0x6  }
0x15: {  	s3 =	sadd.s32 s3, s0;
	s14 =	sadd.s32 s9, s0;
	s0 =	sadd.s32 s18, s0  }
0x16: {  	s9 =	sor.u32 $0x1C05, s21;
	[dreg:$0x7] =	wrdreg s11;
	s18 =	sshrl.u32 s23, $0x3  }
0x17: {  	s19 =	sshrl.u32 s19, $0x3;
	s20 =	sshrl.u32 s20, $0x3;
	s24 =	sadd.s32 $0x16200, s3  }
.Ltmp0:
0x18: {  	s3 =	sadd.s32 $0x20200, s3;
	[dreg:$0x8] =	wrdreg s24;
	(pc) =	sbr.rel .LBB2_1-.Ltmp0, $4  }
0x19: {  	s21 =	sshrl.u32 s12, $0x3;
	s26 =	sadd.s32 $0x2A600, s14;
	[dreg:$0x9] =	wrdreg s3  }
0x1a: {  	s23 =	simm.s32 $0x14000;
	s0 =	sadd.s32 $0x52600, s0;
	[dreg:$0xb] =	wrdreg s26  }
0x1b: {  	s11 =	simm.s32 $0x0;
	[dreg:$0xc] =	wrdreg s0;
	s24 =	simm.s32 $0x16800  }
0x1c: {  	v0 =	vimm.f32 $1.000000000e+00;
	s26 =	simm.s32 $0x80;
	s3 =	simm.s32 $0x1B000;
	s0 =	simm.s32 $0x2  }
.LBB2_4:
0x1d: {  	_ =	swait.ge [sflag:s6], $0x2000  }
0x1e: {  	[sflag:s6] =	ssyncset.done $0x0  }
0x1f: {  	[sflag:s6] =	ssyncadd.s32 $0xFFFFE000  }
0x20: {  	_ =	swait.ge [sflag:s8], $0x500  }
0x21: {  	[sflag:s8] =	ssyncset.done $0x0  }
0x22: {  	[sflag:s8] =	ssyncadd.s32 $0xFFFFFB00  }
0x23: {  	[bflag:$0x0] =	sbarrier.arrive $0xFFFF  }
0x24: {  	s13 =	rddreg [dreg:$0x6]  }
0x25: {  	s14 =	rddreg [dreg:$0xb];
	s13 =	sor.u32 $0x1C07, s13  }
0x26: {  	[hbm:s14], [sflag:s13] =	dma.local [spmem:s17], $0x1400  }
0x27: {  	s11 =	sadd.s32 $0x1, s11;
	_ =	swait.ge [sflag:s10], $0x1400  }
0x28: {  	p0 =	sne.s32 s11, s16;
	[sflag:s10] =	ssyncset.done $0x0  }
.Ltmp1:
0x29: {  	s15 =	rddreg [dreg:$0xc];
	[sflag:s10] =	ssyncadd.s32 $0xFFFFEC00;
	(pc) =	sbr.rel @!p0 .LBB2_5-.Ltmp1, $4  }
0x2a: {  	[hbm:s15], [sflag:s13] =	dma.local [spmem:s12], $0x50  }
0x2b: {  	_ =	swait.ge [sflag:s10], $0x50  }
0x2c: {  	[sflag:s10] =	ssyncset.done $0x0  }
0x2d: {  	[sflag:s10] =	ssyncadd.s32 $0xFFFFFFB0  }
.LBB2_1:
0x2e: {  	[spmem:s17], [sflag:s9] =	dma.local [hbm:s7], $0x400  }
0x2f: {  	[spmem:s18], [sflag:s9] =	dma.local [hbm:s7], $0x400  }
0x30: {  	[spmem:s19], [sflag:s9] =	dma.local [hbm:s7], $0x400  }
0x31: {  	[spmem:s20], [sflag:s9] =	dma.local [hbm:s7], $0x400  }
0x32: {  	[spmem:s21], [sflag:s9] =	dma.local [hbm:s7], $0x400  }
0x33: {  	s12 =	rddreg [dreg:$0x7]  }
0x34: {  	[spmem:s22], [sflag:s9] =	dma.local [hbm:s12], $0x1388  }
0x35: {  	s14 =	simm.s32 $0x0;
	s13 =	rddreg [dreg:$0x8]  }
0x36: {  	[tilespmem:s23], [sflag:$0x5] =	stream.linear.gather [hbm4b:s13+s14], $0x2800, $0x38;
	[tilespmem:$0x1D300] =	vst v63  }
0x37: {  	s15 =	rddreg [dreg:$0x9]  }
0x38: {  	[tilespmem:s24], [sflag:$0x5] =	stream.linear.gather [hbm4b:s15+s14], $0x2800, $0x38;
	[tilespmem:$0x1D300] =	vst v63  }
0x39: {  	s14 =	rddreg [dreg:$0xa]  }
0x3a: {  	s15 =	rddreg [dreg:$0x1];
	s12 =	sshrl.u32 s14, $0x3  }
0x3b: {  	[spmem:s12], [sflag:s9] =	dma.local [hbm:s15], $0x50;
	[tilespmem:$0x1D280] =	vst v0  }
0x3c: {  	[tilespmem:$0x1D290] =	vst v0  }
0x3d: {  	[tilespmem:$0x1D2A0] =	vst v0  }
0x3e: {  	[tilespmem:$0x1D2B0] =	vst v0  }
0x3f: {  	[tilespmem:$0x1D2C0] =	vst v0  }
0x40: {  	[tilespmem:$0x1D2D0] =	vst v0  }
0x41: {  	[tilespmem:$0x1D2E0] =	vst v0  }
0x42: {  	[tilespmem:$0x1D2F0] =	vst v0  }
0x43: {  	_ =	swait.ge [sflag:s25], $0x400  }
0x44: {  	[sflag:s25] =	ssyncset.done $0x0  }
0x45: {  	[sflag:s25] =	ssyncadd.s32 $0xFFFFFC00  }
0x46: {  	_ =	swait.ge [sflag:s25], $0x400  }
0x47: {  	[sflag:s25] =	ssyncset.done $0x0  }
0x48: {  	[sflag:s25] =	ssyncadd.s32 $0xFFFFFC00  }
0x49: {  	_ =	swait.ge [sflag:s25], $0x400  }
0x4a: {  	[sflag:s25] =	ssyncset.done $0x0  }
0x4b: {  	[sflag:s25] =	ssyncadd.s32 $0xFFFFFC00  }
0x4c: {  	_ =	swait.ge [sflag:s25], $0x400  }
0x4d: {  	[sflag:s25] =	ssyncset.done $0x0  }
0x4e: {  	[sflag:s25] =	ssyncadd.s32 $0xFFFFFC00  }
0x4f: {  	_ =	swait.ge [sflag:s25], $0x400  }
0x50: {  	[sflag:s25] =	ssyncset.done $0x0  }
0x51: {  	[sflag:s25] =	ssyncadd.s32 $0xFFFFFC00  }
0x52: {  	_ =	swait.ge [sflag:s25], $0x1388  }
0x53: {  	[sflag:s25] =	ssyncset.done $0x0  }
0x54: {  	[sflag:s25] =	ssyncadd.s32 $0xFFFFEC78  }
0x55: {  	_ =	swait.ge [sflag:s25], $0x2800  }
0x56: {  	[sflag:s25] =	ssyncset.done $0x0  }
0x57: {  	[sflag:s25] =	ssyncadd.s32 $0xFFFFD800  }
0x58: {  	_ =	swait.ge [sflag:s25], $0x2800  }
0x59: {  	[sflag:s25] =	ssyncset.done $0x0  }
0x5a: {  	[sflag:s25] =	ssyncadd.s32 $0xFFFFD800  }
0x5b: {  	_ =	swait.ge [sflag:s25], $0x50  }
0x5c: {  	[sflag:s25] =	ssyncset.done $0x0  }
0x5d: {  	[sflag:s25] =	ssyncadd.s32 $0xFFFFFFB0  }
0x5e: {  	[bflag:$0x0] =	sbarrier.arrive $0xFFFF  }
0x5f: {  	[tilespmem:s28], [sflag:$0x1] =	stream.indirect.gather [spmem:s4], $0x40, s23, s26, $0xb8;
	[tilespmem:$0x1D300] =	vst v63  }
0x60: {  	_ =	swait.ge [sflag:s29], $0x2000  }
0x61: {  	[sflag:s29] =	ssyncset.done $0x0  }
0x62: {  	[sflag:s29] =	ssyncadd.s32 $0xFFFFE000  }
0x63: {  	[spmem:s2] =	stream.indirect.scatter.add.f32 [tilespmem:s28], [sflag:$0x3], $0x40, s24, s26, $0xb8;
	[tilespmem:$0x1D300] =	vst v63  }
0x64: {  	_ = 	snop  }
0x65: {  	[spmem:s5] =	stream.indirect.scatter.add.f32 [tilespmem:s30], [sflag:$0x6], $0x1, s24, s26, $0xb8;
	[tilespmem:$0x1D300] =	vst v63  }
0x66: {  	s14 =	simm.s32 $0x14080  }
0x67: {  	[tilespmem:s3], [sflag:$0x2] =	stream.indirect.gather [spmem:s4], $0x40, s14, s26, $0xb8;
	[tilespmem:$0x1D300] =	vst v63  }
0x68: {  	_ =	swait.ge [sflag:s0], $0x2000  }
0x69: {  	[sflag:s0] =	ssyncset.done $0x0  }
0x6a: {  	[sflag:s0] =	ssyncadd.s32 $0xFFFFE000  }
0x6b: {  	[spmem:s2] =	stream.indirect.scatter.add.f32 [tilespmem:s3], [sflag:$0x4], $0x40, s1, s26, $0xb8;
	[tilespmem:$0x1D300] =	vst v63  }
0x6c: {  	_ = 	snop  }
0x6d: {  	[spmem:s5] =	stream.indirect.scatter.add.f32 [tilespmem:s30], [sflag:$0x6], $0x1, s1, s26, $0xb8;
	[tilespmem:$0x1D300] =	vst v63  }
0x6e: {  	_ =	swait.ge [sflag:s31], $0x2000  }
0x6f: {  	[sflag:s31] =	ssyncset.done $0x0  }
0x70: {  	s13 =	simm.s32 $0xFFFF6800;
	s15 =	simm.s32 $0x14100;
	[sflag:s31] =	ssyncadd.s32 $0xFFFFE000  }
0x71: {  	[tilespmem:s28], [sflag:$0x1] =	stream.indirect.gather [spmem:s4], $0x40, s15, s26, $0xb8;
	[tilespmem:$0x1D300] =	vst v63  }
.LBB2_2:
0x72: {  	_ =	swait.ge [sflag:s29], $0x2000  }
0x73: {  	s14 =	sshra.s32 s13, $0x2;
	[sflag:s29] =	ssyncset.done $0x0  }
0x74: {  	s15 =	sadd.s32 $0x18F00, s14;
	[sflag:s29] =	ssyncadd.s32 $0xFFFFE000  }
0x75: {  	[spmem:s2] =	stream.indirect.scatter.add.f32 [tilespmem:s28], [sflag:$0x3], $0x40, s15, s26, $0xb8;
	[tilespmem:$0x1D300] =	vst v63  }
0x76: {  	_ = 	snop  }
0x77: {  	[spmem:s5] =	stream.indirect.scatter.add.f32 [tilespmem:s30], [sflag:$0x6], $0x1, s15, s26, $0xb8;
	[tilespmem:$0x1D300] =	vst v63  }
0x78: {  	_ =	swait.ge [sflag:s6], $0x2000  }
0x79: {  	[sflag:s6] =	ssyncset.done $0x0  }
0x7a: {  	s15 =	sadd.s32 $0x16780, s14;
	[sflag:s6] =	ssyncadd.s32 $0xFFFFE000  }
0x7b: {  	[tilespmem:s3], [sflag:$0x2] =	stream.indirect.gather [spmem:s4], $0x40, s15, s26, $0xb8;
	[tilespmem:$0x1D300] =	vst v63  }
0x7c: {  	_ =	swait.ge [sflag:s0], $0x2000  }
0x7d: {  	[sflag:s0] =	ssyncset.done $0x0  }
0x7e: {  	p0 =	seq.s32 s13, $0x0;
	s15 =	sadd.s32 $0x18F80, s14;
	[sflag:s0] =	ssyncadd.s32 $0xFFFFE000  }
0x7f: {  	[spmem:s2] =	stream.indirect.scatter.add.f32 [tilespmem:s3], [sflag:$0x4], $0x40, s15, s26, $0xb8;
	[tilespmem:$0x1D300] =	vst v63  }
.Ltmp2:
0x80: {  	_ = 	snop;
	(pc) =	sbr.rel @p0 .LBB2_4-.Ltmp2, $4  }
0x81: {  	[spmem:s5] =	stream.indirect.scatter.add.f32 [tilespmem:s30], [sflag:$0x6], $0x1, s15, s26, $0xb8;
	[tilespmem:$0x1D300] =	vst v63  }
0x82: {  	_ =	swait.ge [sflag:s31], $0x2000  }
0x83: {  	[sflag:s31] =	ssyncset.done $0x0  }
0x84: {  	[sflag:s31] =	ssyncadd.s32 $0xFFFFE000  }
.Ltmp3:
0x85: {  	(pc) =	sbr.rel .LBB2_2-.Ltmp3, $3  }
0x86: {  	_ =	sdelay $0x1  }
0x87: {  	s14 =	sadd.s32 $0x16800, s14;
	s13 =	sadd.s32 $0x400, s13  }
0x88: {  	[tilespmem:s28], [sflag:$0x1] =	stream.indirect.gather [spmem:s4], $0x40, s14, s26, $0xb8;
	[tilespmem:$0x1D300] =	vst v63  }
.LBB2_5:
0x89: {  	_ =	sfence.sel $0x180000  }
0x8a: {  	[bflag:$0x0] =	sbarrier.arrive $0xFFFF  }
0x8b: {  	_ =	strace $0x90000047  }
0x8c: {  	s0 =	stileid.u32;
	[bflag:$0x2] =	sbarrier.arrive $0xFFFF  }
0x8d: {  	p0 =	sne.s32 s0, $0x0;
	s0 =	rddreg [dreg:$0x5]  }
0x8e: {  	s0 =	sadd.s32 @!p0 $0x100000, s0  }
0x8f: {  	[sflag:s0] =	ssyncadd.tile.s32 @!p0 $0x1;
	_ =	shalt  }
.Lfunc_end2:
_tile_overlayer_lowered:
.L_overlay_start_2:
0x90: {  	(tag) =	ssettag $0x2  }
0x91: {  	s0 =	rddreg [dreg:$0x0];
	s2 =	stileid.u32  }
0x92: {  	s1 =	rddreg [dreg:$0x1];
	p0 =	sne.s32 s2, $0x0  }
0x93: {  	s3 =	rddreg [dreg:$0x2];
	[bflag:$0x3] =	sbarrier.arrive $0xFFFF;
	s2 =	simm.s32 @!p0 $0x1C07  }
0x94: {  	[timem:s3], [sflag:s2] =	dma.local @!p0 [hbm:s0], s1  }
0x95: {  	s0 =	simm.s32 @!p0 $0x7  }
0x96: {  	_ =	swait.ge @!p0 [sflag:s0], s1  }
0x97: {  	s1 =	ssub.s32 @!p0 $0x0, s1;
	[sflag:s0] =	ssyncset.done @!p0 $0x0  }
0x98: {  	[sflag:s0] =	ssyncadd.s32 @!p0 s1  }
0x99: {  	[bflag:$0x3] =	sbarrier.arrive $0xFFFF  }
0x9a: {  	_ =	shalt  }

</sc_bundles>
